<compile_context>
chip_gen: v7x
topology: tpu7x:2x2x1
jax: 0.10.2.dev20260603
libtpu: 0.0.44.dev20260713+nightly
codegen_flags: <defaults>
</compile_context>

<pallas_src>
import functools

import jax
import jax.numpy as jnp
from jax import lax
from jax.experimental import pallas as pl
from jax.experimental.pallas import tpu as pltpu
from jax.experimental.pallas import tpu_sc as plsc

N = 10000
E = 320000
H = 128
G = 256
C = 10

NC = 2
NS = 16
NW = NC * NS

CHUNK = 128
CPT = (((E + NW * CHUNK - 1) // (NW * CHUNK)) + 7) // 8 * 8
EPAD = NW * CHUNK * CPT
ZROWS = ((N // NS) // 8 + 1) * 8
NACC = ZROWS * NS

SUP = 2
SUPC = SUP * CHUNK
SPT = CPT // SUP
KGF = 2
assert SPT % KGF == 0
KS = 2
NGS = CPT // KS


def _sc_mesh():
    return plsc.VectorSubcoreMesh(core_axis_name="c", subcore_axis_name="s",
                                  num_cores=NC, num_subcores=NS)


@functools.partial(
    pl.kernel,
    out_type=jax.ShapeDtypeStruct((EPAD, H), jnp.float32),
    mesh=_sc_mesh(),
    scratch_types=[
        pltpu.VMEM((CPT * CHUNK,), jnp.int32),
        [pltpu.VMEM((SUPC, H), jnp.float32) for _ in range(KGF)],
        pltpu.SemaphoreType.DMA,
    ],
)
def _sc_gather(h_hbm, src_hbm, msgs_hbm, src_v, rows, gsem):
    cid = lax.axis_index("c")
    sid = lax.axis_index("s")
    wid = sid * NC + cid
    base = wid * CPT * CHUNK

    pltpu.sync_copy(src_hbm.at[pl.ds(base, CPT * CHUNK)], src_v)

    def body(g, carry):
        e0 = g * KGF * SUPC
        for b in range(KGF):
            pltpu.async_copy(h_hbm.at[src_v.at[pl.ds(e0 + b * SUPC, SUPC)]],
                             rows[b], gsem)
        for b in range(KGF):
            pltpu.make_async_copy(h_hbm.at[src_v.at[pl.ds(0, SUPC)]],
                                  rows[b], gsem).wait()
        for b in range(KGF):
            pltpu.sync_copy(rows[b], msgs_hbm.at[pl.ds(base + e0 + b * SUPC,
                                                       SUPC)])
        return carry

    lax.fori_loop(0, SPT // KGF, body, 0)


@functools.partial(
    pl.kernel,
    out_type=jax.ShapeDtypeStruct((NC, NACC, H), jnp.float32),
    mesh=_sc_mesh(),
    scratch_types=[
        pltpu.VMEM((CPT, CHUNK), jnp.int32),
        pltpu.VMEM((KS * CHUNK, H), jnp.float32),
        pltpu.VMEM_SHARED((NACC, H), jnp.float32),
        pltpu.SemaphoreType.DMA,
    ],
)
def _sc_scatter(msgs_hbm, dst_hbm, zeros_hbm, out_hbm, dst_v, rows, acc, ssem):
    cid = lax.axis_index("c")
    sid = lax.axis_index("s")
    wid = sid * NC + cid

    pltpu.sync_copy(zeros_hbm, acc.at[pl.ds(sid * ZROWS, ZROWS)])
    pltpu.sync_copy(dst_hbm.at[pl.ds(wid * CPT, CPT)], dst_v)
    plsc.subcore_barrier()

    def body(g, carry):
        j0 = g * KS
        pltpu.sync_copy(msgs_hbm.at[pl.ds((wid * CPT + j0) * CHUNK,
                                          KS * CHUNK)], rows)
        for b in range(KS):
            pltpu.async_copy(rows.at[pl.ds(b * CHUNK, CHUNK)],
                             acc.at[dst_v.at[j0 + b]], ssem, add=True)
        for b in range(KS):
            pltpu.make_async_copy(rows.at[pl.ds(b * CHUNK, CHUNK)],
                                  acc.at[dst_v.at[0]], ssem).wait()
        return carry

    lax.fori_loop(0, NGS, body, 0)
    plsc.subcore_barrier()

    pltpu.sync_copy(acc.at[pl.ds(sid * ZROWS, ZROWS)],
                    out_hbm.at[cid, pl.ds(sid * ZROWS, ZROWS)])


ROWS = 1000
GRID = N // ROWS


def _mlp_body(h_ref, a0_ref, a1_ref, w1_ref, b1_ref, w2_ref, b2_ref, eps_ref,
              out_ref):
    z = (1.0 + eps_ref[0, 0]) * h_ref[...] + a0_ref[...] + a1_ref[...]
    z = jnp.dot(z, w1_ref[...], preferred_element_type=jnp.float32) + b1_ref[...]
    z = jnp.maximum(z, 0.0)
    z = jnp.dot(z, w2_ref[...], preferred_element_type=jnp.float32) + b2_ref[...]
    out_ref[...] = jnp.maximum(z, 0.0)


_row_spec = pl.BlockSpec((ROWS, H), lambda i: (i, 0))
_full_spec = pl.BlockSpec((H, H), lambda i: (0, 0))
_vec_spec = pl.BlockSpec((1, H), lambda i: (0, 0))
_scalar_spec = pl.BlockSpec((1, 1), lambda i: (0, 0))

_tc_mlp = pl.pallas_call(
    _mlp_body,
    grid=(GRID,),
    in_specs=[_row_spec, _row_spec, _row_spec, _full_spec, _vec_spec,
              _full_spec, _vec_spec, _scalar_spec],
    out_specs=_row_spec,
    out_shape=jax.ShapeDtypeStruct((N, H), jnp.float32),
)


def _pool_body(h_ref, batch_ref, wout_ref, bout_ref, out_ref, acc_ref):
    i = pl.program_id(0)

    @pl.when(i == 0)
    def _():
        acc_ref[...] = jnp.zeros_like(acc_ref)

    gids = lax.broadcasted_iota(jnp.int32, (ROWS, G), 1)
    onehot = (batch_ref[...] == gids).astype(jnp.float32)
    acc_ref[...] += lax.dot_general(
        onehot, h_ref[...], (((0,), (0,)), ((), ())),
        preferred_element_type=jnp.float32)

    @pl.when(i == GRID - 1)
    def _():
        out_ref[...] = (jnp.dot(acc_ref[...], wout_ref[...],
                                preferred_element_type=jnp.float32)
                        + bout_ref[...])


_tc_pool = pl.pallas_call(
    _pool_body,
    grid=(GRID,),
    in_specs=[_row_spec,
              pl.BlockSpec((ROWS, 1), lambda i: (i, 0)),
              pl.BlockSpec((H, C), lambda i: (0, 0)),
              pl.BlockSpec((1, C), lambda i: (0, 0))],
    out_specs=pl.BlockSpec((G, C), lambda i: (0, 0)),
    out_shape=jax.ShapeDtypeStruct((G, C), jnp.float32),
    scratch_shapes=[pltpu.VMEM((G, H), jnp.float32)],
)


def kernel(x, edge_index, batch, params):
    src = edge_index[0]
    dst = edge_index[1]
    pad = EPAD - E
    src1d = jnp.concatenate([src, jnp.zeros((pad,), jnp.int32)])
    dst2d = jnp.concatenate([dst, jnp.full((pad,), N, jnp.int32)]).reshape(-1, CHUNK)
    zeros = jnp.zeros((ZROWS, H), jnp.float32)

    h = x
    for l in range(3):
        msgs = _sc_gather(h, src1d)
        parts = _sc_scatter(msgs, dst2d, zeros)
        h = _tc_mlp(h, parts[0, :N], parts[1, :N],
                    params[f"W1_{l}"], params[f"b1_{l}"].reshape(1, H),
                    params[f"W2_{l}"], params[f"b2_{l}"].reshape(1, H),
                    params[f"eps_{l}"].reshape(1, 1))

    return _tc_pool(h, batch.reshape(N, 1), params["Wout"],
                    params["bout"].reshape(1, C))

# --- scband reference (transcript-rebuilt; emitter-appended) ---
"""Pipeline reference for scband-gin-84456236908864 (READ-ONLY COPY).

The authoritative reference and input builder live on the scoring server;
editing this copy changes nothing except your own understanding.
"""

import jax, jax.numpy as jnp
import numpy as np

N = 10000   # nodes
E = 320000  # edges
D = 128     # in_channels
H = 128     # hidden_channels
C = 10      # out_channels (classes)
G = 256     # graphs in batch
L = 3       # num GIN layers


def setup_inputs(seed: int = 0) -> dict:
    key = jax.random.key(seed)
    ks = jax.random.split(key, 4 + 4 * L + 2)
    x = jax.random.normal(ks[0], (N, D), dtype=jnp.float32)
    edge_index = jax.random.randint(ks[1], (2, E), 0, N, dtype=jnp.int32)
    batch = jnp.sort(jax.random.randint(ks[2], (N,), 0, G, dtype=jnp.int32))
    params = {}
    for l in range(L):
        din = D if l == 0 else H
        params[f"W1_{l}"] = jax.random.normal(ks[3 + 4 * l], (din, H), dtype=jnp.float32) / np.sqrt(din)
        params[f"b1_{l}"] = jnp.zeros((H,), dtype=jnp.float32)
        params[f"W2_{l}"] = jax.random.normal(ks[4 + 4 * l], (H, H), dtype=jnp.float32) / np.sqrt(H)
        params[f"b2_{l}"] = jnp.zeros((H,), dtype=jnp.float32)
        params[f"eps_{l}"] = jnp.zeros((), dtype=jnp.float32)
    params["Wout"] = jax.random.normal(ks[3 + 4 * L], (H, C), dtype=jnp.float32) / np.sqrt(H)
    params["bout"] = jnp.zeros((C,), dtype=jnp.float32)
    return {"x": x, "edge_index": edge_index, "batch": batch, "params": params}


def gin_forward(x, edge_index, batch, params):
    src = edge_index[0]
    dst = edge_index[1]
    h = x
    for l in range(L):
        # GIN message passing: sum-aggregate neighbor features (gather + scatter-add)
        msgs = jnp.take(h, src, axis=0)
        agg = jax.ops.segment_sum(msgs, dst, num_segments=N)
        z = (1.0 + params[f"eps_{l}"]) * h + agg
        # 2-layer MLP (as in WeightedGINConv with an internal MLP)
        z = z @ params[f"W1_{l}"] + params[f"b1_{l}"]
        z = jax.nn.relu(z)
        z = z @ params[f"W2_{l}"] + params[f"b2_{l}"]
        h = jax.nn.relu(z)
    # global add pooling per graph (histogram-style segment reduce over batch ids)
    pooled = jax.ops.segment_sum(h, batch, num_segments=G)
    logits = pooled @ params["Wout"] + params["bout"]
    return logits


def reference(x, edge_index, batch, params):
    return gin_forward(x, edge_index, batch, params)

if __name__ == "__main__":
    import jax
    _d = setup_inputs()
    print(jax.jit(kernel)(*tuple(_d.values())))

</pallas_src>

<mosaic_0001>
#map = affine_map<(d0, d1) -> (0, 0)>
#map1 = affine_map<(d0, d1) -> (0)>
module attributes {stable_mosaic.version = 14 : i64} {
  func.func @_sc_gather(%arg0: i32, %arg1: i32, %arg2: memref<10000x128xf32, #tpu.memory_space<hbm>>, %arg3: memref<327680xi32, #tpu.memory_space<hbm>>, %arg4: memref<327680x128xf32, #tpu.memory_space<hbm>>, %arg5: memref<10240xi32, #tpu.memory_space<vmem>>, %arg6: memref<256x128xf32, #tpu.memory_space<vmem>>, %arg7: memref<256x128xf32, #tpu.memory_space<vmem>>, %arg8: memref<!tpu.dma_semaphore, #tpu.memory_space<semaphore_mem>>) attributes {dimension_semantics = [#tpu.dimension_semantics<core_parallel>, #tpu.dimension_semantics<subcore_parallel>], iteration_bounds = array<i64: 2, 16>, scalar_prefetch = 0 : i64, scratch_operands = 4 : i64, tpu.core_type = #tpu.core_type<sc_vector_subcore>, window_params = [{transform_indices = #map}, {transform_indices = #map1}, {transform_indices = #map}]} {
    %mul3A = arith.constant 2 : i32
    %mul3A_0 = arith.muli %arg1, %mul3A : i32
    %add3A = arith.addi %mul3A_0, %arg0 : i32
    %mul3A_1 = arith.constant 80 : i32
    %mul3A_2 = arith.muli %add3A, %mul3A_1 : i32
    %mul3A_3 = arith.constant 128 : i32
    %mul3A_4 = arith.muli %mul3A_2, %mul3A_3 : i32
    "tpu.region"() ({
      %run_scoped3A = tpu.sem_alloc : memref<!tpu.dma_semaphore, #tpu.memory_space<semaphore_mem>>
      %dma_start3A = tpu.memref_slice %arg3[%mul3A_4] : memref<327680xi32, #tpu.memory_space<hbm>> -> memref<10240xi32, #tpu.memory_space<hbm>>
      %dma_start3A_10 = tpu.memref_slice %arg3[%mul3A_4] : memref<327680xi32, #tpu.memory_space<hbm>> -> memref<10240xi32, #tpu.memory_space<hbm>>
      tpu.enqueue_dma source(%dma_start3A_10 : memref<10240xi32, #tpu.memory_space<hbm>>) target(%arg5 : memref<10240xi32, #tpu.memory_space<vmem>>) target_semaphore(%run_scoped3A : memref<!tpu.dma_semaphore, #tpu.memory_space<semaphore_mem>>)
      %dma_wait3A = tpu.memref_slice %arg3[%mul3A_4] : memref<327680xi32, #tpu.memory_space<hbm>> -> memref<10240xi32, #tpu.memory_space<hbm>>
      %dma_wait3A_11 = tpu.memref_slice %arg3[%mul3A_4] : memref<327680xi32, #tpu.memory_space<hbm>> -> memref<10240xi32, #tpu.memory_space<hbm>>
      tpu.wait_dma2 semaphore(%run_scoped3A : memref<!tpu.dma_semaphore, #tpu.memory_space<semaphore_mem>>) src(%dma_wait3A_11 : memref<10240xi32, #tpu.memory_space<hbm>>) dst(%arg5 : memref<10240xi32, #tpu.memory_space<vmem>>)
      tpu.yield
    }) : () -> ()
    %scan3A = arith.constant 0 : i32
    %scan3A_5 = arith.constant 0 : i32
    %scan3A_6 = arith.constant 20 : i32
    %scan3A_7 = arith.addi %scan3A_5, %scan3A_6 : i32
    %scan3A_8 = arith.constant 1 : i32
    scf.for %scan3A_10 = %scan3A_5 to %scan3A_7 step %scan3A_8  : i32 {
      %mul3A_11 = arith.constant 2 : i32
      %mul3A_12 = arith.muli %scan3A_10, %mul3A_11 : i32
      %mul3A_13 = arith.constant 256 : i32
      %mul3A_14 = arith.muli %mul3A_12, %mul3A_13 : i32
      %add3A_15 = arith.constant 0 : i32
      %add3A_16 = arith.addi %mul3A_14, %add3A_15 : i32
      %dma_start3A = tpu.memref_slice %arg5[%add3A_16] : memref<10240xi32, #tpu.memory_space<vmem>> -> memref<256xi32, #tpu.memory_space<vmem>>
      %dma_start3A_17 = arith.constant 0 : i32
      %dma_start3A_18 = arith.constant 0 : i32
      %dma_start3A_19 = tpu.memref_slice %arg2[%dma_start3A_17, %dma_start3A_18] : memref<10000x128xf32, #tpu.memory_space<hbm>> -> memref<10000x128xf32, #tpu.memory_space<hbm>>
      tpu.enqueue_indirect_dma source(%dma_start3A_19 : memref<10000x128xf32, #tpu.memory_space<hbm>>) target(%arg6 : memref<256x128xf32, #tpu.memory_space<vmem>>) offsets(%dma_start3A : memref<256xi32, #tpu.memory_space<vmem>>) semaphore(%arg8 : memref<!tpu.dma_semaphore, #tpu.memory_space<semaphore_mem>>)
      %add3A_20 = arith.constant 256 : i32
      %add3A_21 = arith.addi %mul3A_14, %add3A_20 : i32
      %dma_start3A_22 = tpu.memref_slice %arg5[%add3A_21] : memref<10240xi32, #tpu.memory_space<vmem>> -> memref<256xi32, #tpu.memory_space<vmem>>
      %dma_start3A_23 = arith.constant 0 : i32
      %dma_start3A_24 = arith.constant 0 : i32
      %dma_start3A_25 = tpu.memref_slice %arg2[%dma_start3A_23, %dma_start3A_24] : memref<10000x128xf32, #tpu.memory_space<hbm>> -> memref<10000x128xf32, #tpu.memory_space<hbm>>
      tpu.enqueue_indirect_dma source(%dma_start3A_25 : memref<10000x128xf32, #tpu.memory_space<hbm>>) target(%arg7 : memref<256x128xf32, #tpu.memory_space<vmem>>) offsets(%dma_start3A_22 : memref<256xi32, #tpu.memory_space<vmem>>) semaphore(%arg8 : memref<!tpu.dma_semaphore, #tpu.memory_space<semaphore_mem>>)
      %dma_wait3A = arith.constant 0 : i32
      %dma_wait3A_26 = tpu.memref_slice %arg5[%dma_wait3A] : memref<10240xi32, #tpu.memory_space<vmem>> -> memref<256xi32, #tpu.memory_space<vmem>>
      %dma_wait3A_27 = arith.constant 0 : i32
      %dma_wait3A_28 = arith.constant 0 : i32
      %dma_wait3A_29 = tpu.memref_slice %arg2[%dma_wait3A_27, %dma_wait3A_28] : memref<10000x128xf32, #tpu.memory_space<hbm>> -> memref<10000x128xf32, #tpu.memory_space<hbm>>
      tpu.wait_indirect_dma semaphore(%arg8 : memref<!tpu.dma_semaphore, #tpu.memory_space<semaphore_mem>>) src(%dma_wait3A_29 : memref<10000x128xf32, #tpu.memory_space<hbm>>) dst(%arg6 : memref<256x128xf32, #tpu.memory_space<vmem>>)
      %dma_wait3A_30 = arith.constant 0 : i32
      %dma_wait3A_31 = tpu.memref_slice %arg5[%dma_wait3A_30] : memref<10240xi32, #tpu.memory_space<vmem>> -> memref<256xi32, #tpu.memory_space<vmem>>
      %dma_wait3A_32 = arith.constant 0 : i32
      %dma_wait3A_33 = arith.constant 0 : i32
      %dma_wait3A_34 = tpu.memref_slice %arg2[%dma_wait3A_32, %dma_wait3A_33] : memref<10000x128xf32, #tpu.memory_space<hbm>> -> memref<10000x128xf32, #tpu.memory_space<hbm>>
      tpu.wait_indirect_dma semaphore(%arg8 : memref<!tpu.dma_semaphore, #tpu.memory_space<semaphore_mem>>) src(%dma_wait3A_34 : memref<10000x128xf32, #tpu.memory_space<hbm>>) dst(%arg7 : memref<256x128xf32, #tpu.memory_space<vmem>>)
      %add3A_35 = arith.addi %mul3A_4, %mul3A_14 : i32
      %add3A_36 = arith.constant 0 : i32
      %add3A_37 = arith.addi %add3A_35, %add3A_36 : i32
      "tpu.region"() ({
        %run_scoped3A = tpu.sem_alloc : memref<!tpu.dma_semaphore, #tpu.memory_space<semaphore_mem>>
        %dma_start3A_41 = arith.constant 0 : i32
        %dma_start3A_42 = tpu.memref_slice %arg4[%add3A_37, %dma_start3A_41] : memref<327680x128xf32, #tpu.memory_space<hbm>> -> memref<256x128xf32, #tpu.memory_space<hbm>>
        %dma_start3A_43 = arith.constant 0 : i32
        %dma_start3A_44 = tpu.memref_slice %arg4[%add3A_37, %dma_start3A_43] : memref<327680x128xf32, #tpu.memory_space<hbm>> -> memref<256x128xf32, #tpu.memory_space<hbm>>
        tpu.enqueue_dma source(%arg6 : memref<256x128xf32, #tpu.memory_space<vmem>>) target(%dma_start3A_44 : memref<256x128xf32, #tpu.memory_space<hbm>>) target_semaphore(%run_scoped3A : memref<!tpu.dma_semaphore, #tpu.memory_space<semaphore_mem>>)
        %dma_wait3A_45 = arith.constant 0 : i32
        %dma_wait3A_46 = tpu.memref_slice %arg4[%add3A_37, %dma_wait3A_45] : memref<327680x128xf32, #tpu.memory_space<hbm>> -> memref<256x128xf32, #tpu.memory_space<hbm>>
        %dma_wait3A_47 = arith.constant 0 : i32
        %dma_wait3A_48 = tpu.memref_slice %arg4[%add3A_37, %dma_wait3A_47] : memref<327680x128xf32, #tpu.memory_space<hbm>> -> memref<256x128xf32, #tpu.memory_space<hbm>>
        tpu.wait_dma2 semaphore(%run_scoped3A : memref<!tpu.dma_semaphore, #tpu.memory_space<semaphore_mem>>) src(%arg6 : memref<256x128xf32, #tpu.memory_space<vmem>>) dst(%dma_wait3A_48 : memref<256x128xf32, #tpu.memory_space<hbm>>)
        tpu.yield
      }) : () -> ()
      %add3A_38 = arith.addi %mul3A_4, %mul3A_14 : i32
      %add3A_39 = arith.constant 256 : i32
      %add3A_40 = arith.addi %add3A_38, %add3A_39 : i32
      "tpu.region"() ({
        %run_scoped3A = tpu.sem_alloc : memref<!tpu.dma_semaphore, #tpu.memory_space<semaphore_mem>>
        %dma_start3A_41 = arith.constant 0 : i32
        %dma_start3A_42 = tpu.memref_slice %arg4[%add3A_40, %dma_start3A_41] : memref<327680x128xf32, #tpu.memory_space<hbm>> -> memref<256x128xf32, #tpu.memory_space<hbm>>
        %dma_start3A_43 = arith.constant 0 : i32
        %dma_start3A_44 = tpu.memref_slice %arg4[%add3A_40, %dma_start3A_43] : memref<327680x128xf32, #tpu.memory_space<hbm>> -> memref<256x128xf32, #tpu.memory_space<hbm>>
        tpu.enqueue_dma source(%arg7 : memref<256x128xf32, #tpu.memory_space<vmem>>) target(%dma_start3A_44 : memref<256x128xf32, #tpu.memory_space<hbm>>) target_semaphore(%run_scoped3A : memref<!tpu.dma_semaphore, #tpu.memory_space<semaphore_mem>>)
        %dma_wait3A_45 = arith.constant 0 : i32
        %dma_wait3A_46 = tpu.memref_slice %arg4[%add3A_40, %dma_wait3A_45] : memref<327680x128xf32, #tpu.memory_space<hbm>> -> memref<256x128xf32, #tpu.memory_space<hbm>>
        %dma_wait3A_47 = arith.constant 0 : i32
        %dma_wait3A_48 = tpu.memref_slice %arg4[%add3A_40, %dma_wait3A_47] : memref<327680x128xf32, #tpu.memory_space<hbm>> -> memref<256x128xf32, #tpu.memory_space<hbm>>
        tpu.wait_dma2 semaphore(%run_scoped3A : memref<!tpu.dma_semaphore, #tpu.memory_space<semaphore_mem>>) src(%arg7 : memref<256x128xf32, #tpu.memory_space<vmem>>) dst(%dma_wait3A_48 : memref<256x128xf32, #tpu.memory_space<hbm>>)
        tpu.yield
      }) : () -> ()
    }
    %scan3A_9 = arith.constant 20 : i32
    return
  }
}

#map = affine_map<(d0, d1) -> (0, 0)>
#map1 = affine_map<(d0, d1) -> (0)>
module attributes {stable_mosaic.version = 14 : i64} {
  func.func @_sc_gather(%arg0: i32, %arg1: i32, %arg2: memref<10000x128xf32, #tpu.memory_space<hbm>>, %arg3: memref<327680xi32, #tpu.memory_space<hbm>>, %arg4: memref<327680x128xf32, #tpu.memory_space<hbm>>, %arg5: memref<10240xi32, #tpu.memory_space<vmem>>, %arg6: memref<256x128xf32, #tpu.memory_space<vmem>>, %arg7: memref<256x128xf32, #tpu.memory_space<vmem>>, %arg8: memref<!tpu.dma_semaphore, #tpu.memory_space<semaphore_mem>>) attributes {dimension_semantics = [#tpu.dimension_semantics<core_parallel>, #tpu.dimension_semantics<subcore_parallel>], iteration_bounds = array<i64: 2, 16>, scalar_prefetch = 0 : i64, scratch_operands = 4 : i64, tpu.core_type = #tpu.core_type<sc_vector_subcore>, window_params = [{transform_indices = #map}, {transform_indices = #map1}, {transform_indices = #map}]} {
    %mul3A = arith.constant 2 : i32
    %mul3A_0 = arith.muli %arg1, %mul3A : i32
    %add3A = arith.addi %mul3A_0, %arg0 : i32
    %mul3A_1 = arith.constant 80 : i32
    %mul3A_2 = arith.muli %add3A, %mul3A_1 : i32
    %mul3A_3 = arith.constant 128 : i32
    %mul3A_4 = arith.muli %mul3A_2, %mul3A_3 : i32
    "tpu.region"() ({
      %run_scoped3A = tpu.sem_alloc : memref<!tpu.dma_semaphore, #tpu.memory_space<semaphore_mem>>
      %dma_start3A = tpu.memref_slice %arg3[%mul3A_4] : memref<327680xi32, #tpu.memory_space<hbm>> -> memref<10240xi32, #tpu.memory_space<hbm>>
      %dma_start3A_10 = tpu.memref_slice %arg3[%mul3A_4] : memref<327680xi32, #tpu.memory_space<hbm>> -> memref<10240xi32, #tpu.memory_space<hbm>>
      tpu.enqueue_dma source(%dma_start3A_10 : memref<10240xi32, #tpu.memory_space<hbm>>) target(%arg5 : memref<10240xi32, #tpu.memory_space<vmem>>) target_semaphore(%run_scoped3A : memref<!tpu.dma_semaphore, #tpu.memory_space<semaphore_mem>>)
      %dma_wait3A = tpu.memref_slice %arg3[%mul3A_4] : memref<327680xi32, #tpu.memory_space<hbm>> -> memref<10240xi32, #tpu.memory_space<hbm>>
      %dma_wait3A_11 = tpu.memref_slice %arg3[%mul3A_4] : memref<327680xi32, #tpu.memory_space<hbm>> -> memref<10240xi32, #tpu.memory_space<hbm>>
      tpu.wait_dma2 semaphore(%run_scoped3A : memref<!tpu.dma_semaphore, #tpu.memory_space<semaphore_mem>>) src(%dma_wait3A_11 : memref<10240xi32, #tpu.memory_space<hbm>>) dst(%arg5 : memref<10240xi32, #tpu.memory_space<vmem>>)
      tpu.yield
    }) : () -> ()
    %scan3A = arith.constant 0 : i32
    %scan3A_5 = arith.constant 0 : i32
    %scan3A_6 = arith.constant 20 : i32
    %scan3A_7 = arith.addi %scan3A_5, %scan3A_6 : i32
    %scan3A_8 = arith.constant 1 : i32
    scf.for %scan3A_10 = %scan3A_5 to %scan3A_7 step %scan3A_8  : i32 {
      %mul3A_11 = arith.constant 2 : i32
      %mul3A_12 = arith.muli %scan3A_10, %mul3A_11 : i32
      %mul3A_13 = arith.constant 256 : i32
      %mul3A_14 = arith.muli %mul3A_12, %mul3A_13 : i32
      %add3A_15 = arith.constant 0 : i32
      %add3A_16 = arith.addi %mul3A_14, %add3A_15 : i32
      %dma_start3A = tpu.memref_slice %arg5[%add3A_16] : memref<10240xi32, #tpu.memory_space<vmem>> -> memref<256xi32, #tpu.memory_space<vmem>>
      %dma_start3A_17 = arith.constant 0 : i32
      %dma_start3A_18 = arith.constant 0 : i32
      %dma_start3A_19 = tpu.memref_slice %arg2[%dma_start3A_17, %dma_start3A_18] : memref<10000x128xf32, #tpu.memory_space<hbm>> -> memref<10000x128xf32, #tpu.memory_space<hbm>>
      tpu.enqueue_indirect_dma source(%dma_start3A_19 : memref<10000x128xf32, #tpu.memory_space<hbm>>) target(%arg6 : memref<256x128xf32, #tpu.memory_space<vmem>>) offsets(%dma_start3A : memref<256xi32, #tpu.memory_space<vmem>>) semaphore(%arg8 : memref<!tpu.dma_semaphore, #tpu.memory_space<semaphore_mem>>)
      %add3A_20 = arith.constant 256 : i32
      %add3A_21 = arith.addi %mul3A_14, %add3A_20 : i32
      %dma_start3A_22 = tpu.memref_slice %arg5[%add3A_21] : memref<10240xi32, #tpu.memory_space<vmem>> -> memref<256xi32, #tpu.memory_space<vmem>>
      %dma_start3A_23 = arith.constant 0 : i32
      %dma_start3A_24 = arith.constant 0 : i32
      %dma_start3A_25 = tpu.memref_slice %arg2[%dma_start3A_23, %dma_start3A_24] : memref<10000x128xf32, #tpu.memory_space<hbm>> -> memref<10000x128xf32, #tpu.memory_space<hbm>>
      tpu.enqueue_indirect_dma source(%dma_start3A_25 : memref<10000x128xf32, #tpu.memory_space<hbm>>) target(%arg7 : memref<256x128xf32, #tpu.memory_space<vmem>>) offsets(%dma_start3A_22 : memref<256xi32, #tpu.memory_space<vmem>>) semaphore(%arg8 : memref<!tpu.dma_semaphore, #tpu.memory_space<semaphore_mem>>)
      %dma_wait3A = arith.constant 0 : i32
      %dma_wait3A_26 = tpu.memref_slice %arg5[%dma_wait3A] : memref<10240xi32, #tpu.memory_space<vmem>> -> memref<256xi32, #tpu.memory_space<vmem>>
      %dma_wait3A_27 = arith.constant 0 : i32
      %dma_wait3A_28 = arith.constant 0 : i32
      %dma_wait3A_29 = tpu.memref_slice %arg2[%dma_wait3A_27, %dma_wait3A_28] : memref<10000x128xf32, #tpu.memory_space<hbm>> -> memref<10000x128xf32, #tpu.memory_space<hbm>>
      tpu.wait_indirect_dma semaphore(%arg8 : memref<!tpu.dma_semaphore, #tpu.memory_space<semaphore_mem>>) src(%dma_wait3A_29 : memref<10000x128xf32, #tpu.memory_space<hbm>>) dst(%arg6 : memref<256x128xf32, #tpu.memory_space<vmem>>)
      %dma_wait3A_30 = arith.constant 0 : i32
      %dma_wait3A_31 = tpu.memref_slice %arg5[%dma_wait3A_30] : memref<10240xi32, #tpu.memory_space<vmem>> -> memref<256xi32, #tpu.memory_space<vmem>>
      %dma_wait3A_32 = arith.constant 0 : i32
      %dma_wait3A_33 = arith.constant 0 : i32
      %dma_wait3A_34 = tpu.memref_slice %arg2[%dma_wait3A_32, %dma_wait3A_33] : memref<10000x128xf32, #tpu.memory_space<hbm>> -> memref<10000x128xf32, #tpu.memory_space<hbm>>
      tpu.wait_indirect_dma semaphore(%arg8 : memref<!tpu.dma_semaphore, #tpu.memory_space<semaphore_mem>>) src(%dma_wait3A_34 : memref<10000x128xf32, #tpu.memory_space<hbm>>) dst(%arg7 : memref<256x128xf32, #tpu.memory_space<vmem>>)
      %add3A_35 = arith.addi %mul3A_4, %mul3A_14 : i32
      %add3A_36 = arith.constant 0 : i32
      %add3A_37 = arith.addi %add3A_35, %add3A_36 : i32
      "tpu.region"() ({
        %run_scoped3A = tpu.sem_alloc : memref<!tpu.dma_semaphore, #tpu.memory_space<semaphore_mem>>
        %dma_start3A_41 = arith.constant 0 : i32
        %dma_start3A_42 = tpu.memref_slice %arg4[%add3A_37, %dma_start3A_41] : memref<327680x128xf32, #tpu.memory_space<hbm>> -> memref<256x128xf32, #tpu.memory_space<hbm>>
        %dma_start3A_43 = arith.constant 0 : i32
        %dma_start3A_44 = tpu.memref_slice %arg4[%add3A_37, %dma_start3A_43] : memref<327680x128xf32, #tpu.memory_space<hbm>> -> memref<256x128xf32, #tpu.memory_space<hbm>>
        tpu.enqueue_dma source(%arg6 : memref<256x128xf32, #tpu.memory_space<vmem>>) target(%dma_start3A_44 : memref<256x128xf32, #tpu.memory_space<hbm>>) target_semaphore(%run_scoped3A : memref<!tpu.dma_semaphore, #tpu.memory_space<semaphore_mem>>)
        %dma_wait3A_45 = arith.constant 0 : i32
        %dma_wait3A_46 = tpu.memref_slice %arg4[%add3A_37, %dma_wait3A_45] : memref<327680x128xf32, #tpu.memory_space<hbm>> -> memref<256x128xf32, #tpu.memory_space<hbm>>
        %dma_wait3A_47 = arith.constant 0 : i32
        %dma_wait3A_48 = tpu.memref_slice %arg4[%add3A_37, %dma_wait3A_47] : memref<327680x128xf32, #tpu.memory_space<hbm>> -> memref<256x128xf32, #tpu.memory_space<hbm>>
        tpu.wait_dma2 semaphore(%run_scoped3A : memref<!tpu.dma_semaphore, #tpu.memory_space<semaphore_mem>>) src(%arg6 : memref<256x128xf32, #tpu.memory_space<vmem>>) dst(%dma_wait3A_48 : memref<256x128xf32, #tpu.memory_space<hbm>>)
        tpu.yield
      }) : () -> ()
      %add3A_38 = arith.addi %mul3A_4, %mul3A_14 : i32
      %add3A_39 = arith.constant 256 : i32
      %add3A_40 = arith.addi %add3A_38, %add3A_39 : i32
      "tpu.region"() ({
        %run_scoped3A = tpu.sem_alloc : memref<!tpu.dma_semaphore, #tpu.memory_space<semaphore_mem>>
        %dma_start3A_41 = arith.constant 0 : i32
        %dma_start3A_42 = tpu.memref_slice %arg4[%add3A_40, %dma_start3A_41] : memref<327680x128xf32, #tpu.memory_space<hbm>> -> memref<256x128xf32, #tpu.memory_space<hbm>>
        %dma_start3A_43 = arith.constant 0 : i32
        %dma_start3A_44 = tpu.memref_slice %arg4[%add3A_40, %dma_start3A_43] : memref<327680x128xf32, #tpu.memory_space<hbm>> -> memref<256x128xf32, #tpu.memory_space<hbm>>
        tpu.enqueue_dma source(%arg7 : memref<256x128xf32, #tpu.memory_space<vmem>>) target(%dma_start3A_44 : memref<256x128xf32, #tpu.memory_space<hbm>>) target_semaphore(%run_scoped3A : memref<!tpu.dma_semaphore, #tpu.memory_space<semaphore_mem>>)
        %dma_wait3A_45 = arith.constant 0 : i32
        %dma_wait3A_46 = tpu.memref_slice %arg4[%add3A_40, %dma_wait3A_45] : memref<327680x128xf32, #tpu.memory_space<hbm>> -> memref<256x128xf32, #tpu.memory_space<hbm>>
        %dma_wait3A_47 = arith.constant 0 : i32
        %dma_wait3A_48 = tpu.memref_slice %arg4[%add3A_40, %dma_wait3A_47] : memref<327680x128xf32, #tpu.memory_space<hbm>> -> memref<256x128xf32, #tpu.memory_space<hbm>>
        tpu.wait_dma2 semaphore(%run_scoped3A : memref<!tpu.dma_semaphore, #tpu.memory_space<semaphore_mem>>) src(%arg7 : memref<256x128xf32, #tpu.memory_space<vmem>>) dst(%dma_wait3A_48 : memref<256x128xf32, #tpu.memory_space<hbm>>)
        tpu.yield
      }) : () -> ()
    }
    %scan3A_9 = arith.constant 20 : i32
    return
  }
}

#map = affine_map<(d0, d1) -> (0, 0)>
#map1 = affine_map<(d0, d1) -> (0, 0, 0)>
module attributes {stable_mosaic.version = 14 : i64} {
  func.func @_sc_scatter(%arg0: i32, %arg1: i32, %arg2: memref<327680x128xf32, #tpu.memory_space<hbm>>, %arg3: memref<2560x128xi32, #tpu.memory_space<hbm>>, %arg4: memref<632x128xf32, #tpu.memory_space<hbm>>, %arg5: memref<2x10112x128xf32, #tpu.memory_space<hbm>>, %arg6: memref<80x128xi32, #tpu.memory_space<vmem>>, %arg7: memref<256x128xf32, #tpu.memory_space<vmem>>, %arg8: memref<10112x128xf32, #tpu.memory_space<vmem_shared>>, %arg9: memref<!tpu.dma_semaphore, #tpu.memory_space<semaphore_mem>>) attributes {dimension_semantics = [#tpu.dimension_semantics<core_parallel>, #tpu.dimension_semantics<subcore_parallel>], iteration_bounds = array<i64: 2, 16>, scalar_prefetch = 0 : i64, scratch_operands = 4 : i64, tpu.core_type = #tpu.core_type<sc_vector_subcore>, window_params = [{transform_indices = #map}, {transform_indices = #map}, {transform_indices = #map}, {transform_indices = #map1}]} {
    %mul3A = arith.constant 2 : i32
    %mul3A_0 = arith.muli %arg1, %mul3A : i32
    %add3A = arith.addi %mul3A_0, %arg0 : i32
    %mul3A_1 = arith.constant 632 : i32
    %mul3A_2 = arith.muli %arg1, %mul3A_1 : i32
    "tpu.region"() ({
      %run_scoped3A = tpu.sem_alloc : memref<!tpu.dma_semaphore, #tpu.memory_space<semaphore_mem>>
      %dma_start3A = arith.constant 0 : i32
      %dma_start3A_15 = tpu.memref_slice %arg8[%mul3A_2, %dma_start3A] : memref<10112x128xf32, #tpu.memory_space<vmem_shared>> -> memref<632x128xf32, #tpu.memory_space<vmem_shared>>
      tpu.enqueue_dma source(%arg4 : memref<632x128xf32, #tpu.memory_space<hbm>>) target(%dma_start3A_15 : memref<632x128xf32, #tpu.memory_space<vmem_shared>>) target_semaphore(%run_scoped3A : memref<!tpu.dma_semaphore, #tpu.memory_space<semaphore_mem>>)
      %dma_wait3A = arith.constant 0 : i32
      %dma_wait3A_16 = tpu.memref_slice %arg8[%mul3A_2, %dma_wait3A] : memref<10112x128xf32, #tpu.memory_space<vmem_shared>> -> memref<632x128xf32, #tpu.memory_space<vmem_shared>>
      tpu.wait_dma2 semaphore(%run_scoped3A : memref<!tpu.dma_semaphore, #tpu.memory_space<semaphore_mem>>) src(%arg4 : memref<632x128xf32, #tpu.memory_space<hbm>>) dst(%dma_wait3A_16 : memref<632x128xf32, #tpu.memory_space<vmem_shared>>)
      tpu.yield
    }) : () -> ()
    %mul3A_3 = arith.constant 80 : i32
    %mul3A_4 = arith.muli %add3A, %mul3A_3 : i32
    "tpu.region"() ({
      %run_scoped3A = tpu.sem_alloc : memref<!tpu.dma_semaphore, #tpu.memory_space<semaphore_mem>>
      %dma_start3A = arith.constant 0 : i32
      %dma_start3A_15 = tpu.memref_slice %arg3[%mul3A_4, %dma_start3A] : memref<2560x128xi32, #tpu.memory_space<hbm>> -> memref<80x128xi32, #tpu.memory_space<hbm>>
      %dma_start3A_16 = arith.constant 0 : i32
      %dma_start3A_17 = tpu.memref_slice %arg3[%mul3A_4, %dma_start3A_16] : memref<2560x128xi32, #tpu.memory_space<hbm>> -> memref<80x128xi32, #tpu.memory_space<hbm>>
      tpu.enqueue_dma source(%dma_start3A_17 : memref<80x128xi32, #tpu.memory_space<hbm>>) target(%arg6 : memref<80x128xi32, #tpu.memory_space<vmem>>) target_semaphore(%run_scoped3A : memref<!tpu.dma_semaphore, #tpu.memory_space<semaphore_mem>>)
      %dma_wait3A = arith.constant 0 : i32
      %dma_wait3A_18 = tpu.memref_slice %arg3[%mul3A_4, %dma_wait3A] : memref<2560x128xi32, #tpu.memory_space<hbm>> -> memref<80x128xi32, #tpu.memory_space<hbm>>
      %dma_wait3A_19 = arith.constant 0 : i32
      %dma_wait3A_20 = tpu.memref_slice %arg3[%mul3A_4, %dma_wait3A_19] : memref<2560x128xi32, #tpu.memory_space<hbm>> -> memref<80x128xi32, #tpu.memory_space<hbm>>
      tpu.wait_dma2 semaphore(%run_scoped3A : memref<!tpu.dma_semaphore, #tpu.memory_space<semaphore_mem>>) src(%dma_wait3A_20 : memref<80x128xi32, #tpu.memory_space<hbm>>) dst(%arg6 : memref<80x128xi32, #tpu.memory_space<vmem>>)
      tpu.yield
    }) : () -> ()
    %barrier3A = arith.constant 0 : index
    tpu.barrier barrier_id(%barrier3A)
    %scan3A = arith.constant 0 : i32
    %scan3A_5 = arith.constant 0 : i32
    %scan3A_6 = arith.constant 40 : i32
    %scan3A_7 = arith.addi %scan3A_5, %scan3A_6 : i32
    %scan3A_8 = arith.constant 1 : i32
    scf.for %scan3A_15 = %scan3A_5 to %scan3A_7 step %scan3A_8  : i32 {
      %mul3A_16 = arith.constant 2 : i32
      %mul3A_17 = arith.muli %scan3A_15, %mul3A_16 : i32
      %mul3A_18 = arith.constant 80 : i32
      %mul3A_19 = arith.muli %add3A, %mul3A_18 : i32
      %add3A_20 = arith.addi %mul3A_19, %mul3A_17 : i32
      %mul3A_21 = arith.constant 128 : i32
      %mul3A_22 = arith.muli %add3A_20, %mul3A_21 : i32
      "tpu.region"() ({
        %run_scoped3A = tpu.sem_alloc : memref<!tpu.dma_semaphore, #tpu.memory_space<semaphore_mem>>
        %dma_start3A_63 = arith.constant 0 : i32
        %dma_start3A_64 = tpu.memref_slice %arg2[%mul3A_22, %dma_start3A_63] : memref<327680x128xf32, #tpu.memory_space<hbm>> -> memref<256x128xf32, #tpu.memory_space<hbm>>
        %dma_start3A_65 = arith.constant 0 : i32
        %dma_start3A_66 = tpu.memref_slice %arg2[%mul3A_22, %dma_start3A_65] : memref<327680x128xf32, #tpu.memory_space<hbm>> -> memref<256x128xf32, #tpu.memory_space<hbm>>
        tpu.enqueue_dma source(%dma_start3A_66 : memref<256x128xf32, #tpu.memory_space<hbm>>) target(%arg7 : memref<256x128xf32, #tpu.memory_space<vmem>>) target_semaphore(%run_scoped3A : memref<!tpu.dma_semaphore, #tpu.memory_space<semaphore_mem>>)
        %dma_wait3A_67 = arith.constant 0 : i32
        %dma_wait3A_68 = tpu.memref_slice %arg2[%mul3A_22, %dma_wait3A_67] : memref<327680x128xf32, #tpu.memory_space<hbm>> -> memref<256x128xf32, #tpu.memory_space<hbm>>
        %dma_wait3A_69 = arith.constant 0 : i32
        %dma_wait3A_70 = tpu.memref_slice %arg2[%mul3A_22, %dma_wait3A_69] : memref<327680x128xf32, #tpu.memory_space<hbm>> -> memref<256x128xf32, #tpu.memory_space<hbm>>
        tpu.wait_dma2 semaphore(%run_scoped3A : memref<!tpu.dma_semaphore, #tpu.memory_space<semaphore_mem>>) src(%dma_wait3A_70 : memref<256x128xf32, #tpu.memory_space<hbm>>) dst(%arg7 : memref<256x128xf32, #tpu.memory_space<vmem>>)
        tpu.yield
      }) : () -> ()
      %add3A_23 = arith.constant 0 : i32
      %add3A_24 = arith.addi %mul3A_17, %add3A_23 : i32
      %dma_start3A = arith.constant 0 : i32
      %dma_start3A_25 = arith.constant 0 : i32
      %dma_start3A_26 = tpu.memref_slice %arg7[%dma_start3A, %dma_start3A_25] : memref<256x128xf32, #tpu.memory_space<vmem>> -> memref<128x128xf32, #tpu.memory_space<vmem>>
      %dma_start3A_27 = arith.constant 0 : i32
      %dma_start3A_28 = tpu.memref_slice %arg6[%add3A_24, %dma_start3A_27] : memref<80x128xi32, #tpu.memory_space<vmem>> -> memref<1x128xi32, #tpu.memory_space<vmem>>
      %dma_start3A_29 = tpu.memref_squeeze %dma_start3A_28 : memref<1x128xi32, #tpu.memory_space<vmem>> -> memref<128xi32, #tpu.memory_space<vmem>>
      %dma_start3A_30 = arith.constant 0 : i32
      %dma_start3A_31 = arith.constant 0 : i32
      %dma_start3A_32 = tpu.memref_slice %arg8[%dma_start3A_30, %dma_start3A_31] : memref<10112x128xf32, #tpu.memory_space<vmem_shared>> -> memref<10112x128xf32, #tpu.memory_space<vmem_shared>>
      tpu.enqueue_indirect_dma source(%dma_start3A_26 : memref<128x128xf32, #tpu.memory_space<vmem>>) target(%dma_start3A_32 : memref<10112x128xf32, #tpu.memory_space<vmem_shared>>) offsets(%dma_start3A_29 : memref<128xi32, #tpu.memory_space<vmem>>) semaphore(%arg9 : memref<!tpu.dma_semaphore, #tpu.memory_space<semaphore_mem>>) {add = true}
      %add3A_33 = arith.constant 1 : i32
      %add3A_34 = arith.addi %mul3A_17, %add3A_33 : i32
      %dma_start3A_35 = arith.constant 128 : i32
      %dma_start3A_36 = arith.constant 0 : i32
      %dma_start3A_37 = tpu.memref_slice %arg7[%dma_start3A_35, %dma_start3A_36] : memref<256x128xf32, #tpu.memory_space<vmem>> -> memref<128x128xf32, #tpu.memory_space<vmem>>
      %dma_start3A_38 = arith.constant 0 : i32
      %dma_start3A_39 = tpu.memref_slice %arg6[%add3A_34, %dma_start3A_38] : memref<80x128xi32, #tpu.memory_space<vmem>> -> memref<1x128xi32, #tpu.memory_space<vmem>>
      %dma_start3A_40 = tpu.memref_squeeze %dma_start3A_39 : memref<1x128xi32, #tpu.memory_space<vmem>> -> memref<128xi32, #tpu.memory_space<vmem>>
      %dma_start3A_41 = arith.constant 0 : i32
      %dma_start3A_42 = arith.constant 0 : i32
      %dma_start3A_43 = tpu.memref_slice %arg8[%dma_start3A_41, %dma_start3A_42] : memref<10112x128xf32, #tpu.memory_space<vmem_shared>> -> memref<10112x128xf32, #tpu.memory_space<vmem_shared>>
      tpu.enqueue_indirect_dma source(%dma_start3A_37 : memref<128x128xf32, #tpu.memory_space<vmem>>) target(%dma_start3A_43 : memref<10112x128xf32, #tpu.memory_space<vmem_shared>>) offsets(%dma_start3A_40 : memref<128xi32, #tpu.memory_space<vmem>>) semaphore(%arg9 : memref<!tpu.dma_semaphore, #tpu.memory_space<semaphore_mem>>) {add = true}
      %dma_wait3A = arith.constant 0 : i32
      %dma_wait3A_44 = arith.constant 0 : i32
      %dma_wait3A_45 = arith.constant 0 : i32
      %dma_wait3A_46 = tpu.memref_slice %arg7[%dma_wait3A_44, %dma_wait3A_45] : memref<256x128xf32, #tpu.memory_space<vmem>> -> memref<128x128xf32, #tpu.memory_space<vmem>>
      %dma_wait3A_47 = arith.constant 0 : i32
      %dma_wait3A_48 = tpu.memref_slice %arg6[%dma_wait3A, %dma_wait3A_47] : memref<80x128xi32, #tpu.memory_space<vmem>> -> memref<1x128xi32, #tpu.memory_space<vmem>>
      %dma_wait3A_49 = tpu.memref_squeeze %dma_wait3A_48 : memref<1x128xi32, #tpu.memory_space<vmem>> -> memref<128xi32, #tpu.memory_space<vmem>>
      %dma_wait3A_50 = arith.constant 0 : i32
      %dma_wait3A_51 = arith.constant 0 : i32
      %dma_wait3A_52 = tpu.memref_slice %arg8[%dma_wait3A_50, %dma_wait3A_51] : memref<10112x128xf32, #tpu.memory_space<vmem_shared>> -> memref<10112x128xf32, #tpu.memory_space<vmem_shared>>
      tpu.wait_indirect_dma semaphore(%arg9 : memref<!tpu.dma_semaphore, #tpu.memory_space<semaphore_mem>>) src(%dma_wait3A_46 : memref<128x128xf32, #tpu.memory_space<vmem>>) dst(%dma_wait3A_52 : memref<10112x128xf32, #tpu.memory_space<vmem_shared>>)
      %dma_wait3A_53 = arith.constant 0 : i32
      %dma_wait3A_54 = arith.constant 128 : i32
      %dma_wait3A_55 = arith.constant 0 : i32
      %dma_wait3A_56 = tpu.memref_slice %arg7[%dma_wait3A_54, %dma_wait3A_55] : memref<256x128xf32, #tpu.memory_space<vmem>> -> memref<128x128xf32, #tpu.memory_space<vmem>>
      %dma_wait3A_57 = arith.constant 0 : i32
      %dma_wait3A_58 = tpu.memref_slice %arg6[%dma_wait3A_53, %dma_wait3A_57] : memref<80x128xi32, #tpu.memory_space<vmem>> -> memref<1x128xi32, #tpu.memory_space<vmem>>
      %dma_wait3A_59 = tpu.memref_squeeze %dma_wait3A_58 : memref<1x128xi32, #tpu.memory_space<vmem>> -> memref<128xi32, #tpu.memory_space<vmem>>
      %dma_wait3A_60 = arith.constant 0 : i32
      %dma_wait3A_61 = arith.constant 0 : i32
      %dma_wait3A_62 = tpu.memref_slice %arg8[%dma_wait3A_60, %dma_wait3A_61] : memref<10112x128xf32, #tpu.memory_space<vmem_shared>> -> memref<10112x128xf32, #tpu.memory_space<vmem_shared>>
      tpu.wait_indirect_dma semaphore(%arg9 : memref<!tpu.dma_semaphore, #tpu.memory_space<semaphore_mem>>) src(%dma_wait3A_56 : memref<128x128xf32, #tpu.memory_space<vmem>>) dst(%dma_wait3A_62 : memref<10112x128xf32, #tpu.memory_space<vmem_shared>>)
    }
    %scan3A_9 = arith.constant 40 : i32
    %barrier3A_10 = arith.constant 0 : index
    tpu.barrier barrier_id(%barrier3A_10)
    %mul3A_11 = arith.constant 632 : i32
    %mul3A_12 = arith.muli %arg1, %mul3A_11 : i32
    %mul3A_13 = arith.constant 632 : i32
    %mul3A_14 = arith.muli %arg1, %mul3A_13 : i32
    "tpu.region"() ({
      %run_scoped3A = tpu.sem_alloc : memref<!tpu.dma_semaphore, #tpu.memory_space<semaphore_mem>>
      %dma_start3A = arith.constant 0 : i32
      %dma_start3A_15 = tpu.memref_slice %arg5[%arg0, %mul3A_14, %dma_start3A] : memref<2x10112x128xf32, #tpu.memory_space<hbm>> -> memref<1x632x128xf32, #tpu.memory_space<hbm>>
      %dma_start3A_16 = tpu.memref_squeeze %dma_start3A_15 : memref<1x632x128xf32, #tpu.memory_space<hbm>> -> memref<632x128xf32, #tpu.memory_space<hbm>>
      %dma_start3A_17 = arith.constant 0 : i32
      %dma_start3A_18 = tpu.memref_slice %arg8[%mul3A_12, %dma_start3A_17] : memref<10112x128xf32, #tpu.memory_space<vmem_shared>> -> memref<632x128xf32, #tpu.memory_space<vmem_shared>>
      tpu.enqueue_dma source(%dma_start3A_18 : memref<632x128xf32, #tpu.memory_space<vmem_shared>>) target(%dma_start3A_16 : memref<632x128xf32, #tpu.memory_space<hbm>>) target_semaphore(%run_scoped3A : memref<!tpu.dma_semaphore, #tpu.memory_space<semaphore_mem>>)
      %dma_wait3A = arith.constant 0 : i32
      %dma_wait3A_19 = tpu.memref_slice %arg5[%arg0, %mul3A_14, %dma_wait3A] : memref<2x10112x128xf32, #tpu.memory_space<hbm>> -> memref<1x632x128xf32, #tpu.memory_space<hbm>>
      %dma_wait3A_20 = tpu.memref_squeeze %dma_wait3A_19 : memref<1x632x128xf32, #tpu.memory_space<hbm>> -> memref<632x128xf32, #tpu.memory_space<hbm>>
      %dma_wait3A_21 = arith.constant 0 : i32
      %dma_wait3A_22 = tpu.memref_slice %arg8[%mul3A_12, %dma_wait3A_21] : memref<10112x128xf32, #tpu.memory_space<vmem_shared>> -> memref<632x128xf32, #tpu.memory_space<vmem_shared>>
      tpu.wait_dma2 semaphore(%run_scoped3A : memref<!tpu.dma_semaphore, #tpu.memory_space<semaphore_mem>>) src(%dma_wait3A_22 : memref<632x128xf32, #tpu.memory_space<vmem_shared>>) dst(%dma_wait3A_20 : memref<632x128xf32, #tpu.memory_space<hbm>>)
      tpu.yield
    }) : () -> ()
    return
  }
}

#map = affine_map<(d0, d1) -> (0, 0)>
#map1 = affine_map<(d0, d1) -> (0, 0, 0)>
module attributes {stable_mosaic.version = 14 : i64} {
  func.func @_sc_scatter(%arg0: i32, %arg1: i32, %arg2: memref<327680x128xf32, #tpu.memory_space<hbm>>, %arg3: memref<2560x128xi32, #tpu.memory_space<hbm>>, %arg4: memref<632x128xf32, #tpu.memory_space<hbm>>, %arg5: memref<2x10112x128xf32, #tpu.memory_space<hbm>>, %arg6: memref<80x128xi32, #tpu.memory_space<vmem>>, %arg7: memref<256x128xf32, #tpu.memory_space<vmem>>, %arg8: memref<10112x128xf32, #tpu.memory_space<vmem_shared>>, %arg9: memref<!tpu.dma_semaphore, #tpu.memory_space<semaphore_mem>>) attributes {dimension_semantics = [#tpu.dimension_semantics<core_parallel>, #tpu.dimension_semantics<subcore_parallel>], iteration_bounds = array<i64: 2, 16>, scalar_prefetch = 0 : i64, scratch_operands = 4 : i64, tpu.core_type = #tpu.core_type<sc_vector_subcore>, window_params = [{transform_indices = #map}, {transform_indices = #map}, {transform_indices = #map}, {transform_indices = #map1}]} {
    %mul3A = arith.constant 2 : i32
    %mul3A_0 = arith.muli %arg1, %mul3A : i32
    %add3A = arith.addi %mul3A_0, %arg0 : i32
    %mul3A_1 = arith.constant 632 : i32
    %mul3A_2 = arith.muli %arg1, %mul3A_1 : i32
    "tpu.region"() ({
      %run_scoped3A = tpu.sem_alloc : memref<!tpu.dma_semaphore, #tpu.memory_space<semaphore_mem>>
      %dma_start3A = arith.constant 0 : i32
      %dma_start3A_15 = tpu.memref_slice %arg8[%mul3A_2, %dma_start3A] : memref<10112x128xf32, #tpu.memory_space<vmem_shared>> -> memref<632x128xf32, #tpu.memory_space<vmem_shared>>
      tpu.enqueue_dma source(%arg4 : memref<632x128xf32, #tpu.memory_space<hbm>>) target(%dma_start3A_15 : memref<632x128xf32, #tpu.memory_space<vmem_shared>>) target_semaphore(%run_scoped3A : memref<!tpu.dma_semaphore, #tpu.memory_space<semaphore_mem>>)
      %dma_wait3A = arith.constant 0 : i32
      %dma_wait3A_16 = tpu.memref_slice %arg8[%mul3A_2, %dma_wait3A] : memref<10112x128xf32, #tpu.memory_space<vmem_shared>> -> memref<632x128xf32, #tpu.memory_space<vmem_shared>>
      tpu.wait_dma2 semaphore(%run_scoped3A : memref<!tpu.dma_semaphore, #tpu.memory_space<semaphore_mem>>) src(%arg4 : memref<632x128xf32, #tpu.memory_space<hbm>>) dst(%dma_wait3A_16 : memref<632x128xf32, #tpu.memory_space<vmem_shared>>)
      tpu.yield
    }) : () -> ()
    %mul3A_3 = arith.constant 80 : i32
    %mul3A_4 = arith.muli %add3A, %mul3A_3 : i32
    "tpu.region"() ({
      %run_scoped3A = tpu.sem_alloc : memref<!tpu.dma_semaphore, #tpu.memory_space<semaphore_mem>>
      %dma_start3A = arith.constant 0 : i32
      %dma_start3A_15 = tpu.memref_slice %arg3[%mul3A_4, %dma_start3A] : memref<2560x128xi32, #tpu.memory_space<hbm>> -> memref<80x128xi32, #tpu.memory_space<hbm>>
      %dma_start3A_16 = arith.constant 0 : i32
      %dma_start3A_17 = tpu.memref_slice %arg3[%mul3A_4, %dma_start3A_16] : memref<2560x128xi32, #tpu.memory_space<hbm>> -> memref<80x128xi32, #tpu.memory_space<hbm>>
      tpu.enqueue_dma source(%dma_start3A_17 : memref<80x128xi32, #tpu.memory_space<hbm>>) target(%arg6 : memref<80x128xi32, #tpu.memory_space<vmem>>) target_semaphore(%run_scoped3A : memref<!tpu.dma_semaphore, #tpu.memory_space<semaphore_mem>>)
      %dma_wait3A = arith.constant 0 : i32
      %dma_wait3A_18 = tpu.memref_slice %arg3[%mul3A_4, %dma_wait3A] : memref<2560x128xi32, #tpu.memory_space<hbm>> -> memref<80x128xi32, #tpu.memory_space<hbm>>
      %dma_wait3A_19 = arith.constant 0 : i32
      %dma_wait3A_20 = tpu.memref_slice %arg3[%mul3A_4, %dma_wait3A_19] : memref<2560x128xi32, #tpu.memory_space<hbm>> -> memref<80x128xi32, #tpu.memory_space<hbm>>
      tpu.wait_dma2 semaphore(%run_scoped3A : memref<!tpu.dma_semaphore, #tpu.memory_space<semaphore_mem>>) src(%dma_wait3A_20 : memref<80x128xi32, #tpu.memory_space<hbm>>) dst(%arg6 : memref<80x128xi32, #tpu.memory_space<vmem>>)
      tpu.yield
    }) : () -> ()
    %barrier3A = arith.constant 0 : index
    tpu.barrier barrier_id(%barrier3A)
    %scan3A = arith.constant 0 : i32
    %scan3A_5 = arith.constant 0 : i32
    %scan3A_6 = arith.constant 40 : i32
    %scan3A_7 = arith.addi %scan3A_5, %scan3A_6 : i32
    %scan3A_8 = arith.constant 1 : i32
    scf.for %scan3A_15 = %scan3A_5 to %scan3A_7 step %scan3A_8  : i32 {
      %mul3A_16 = arith.constant 2 : i32
      %mul3A_17 = arith.muli %scan3A_15, %mul3A_16 : i32
      %mul3A_18 = arith.constant 80 : i32
      %mul3A_19 = arith.muli %add3A, %mul3A_18 : i32
      %add3A_20 = arith.addi %mul3A_19, %mul3A_17 : i32
      %mul3A_21 = arith.constant 128 : i32
      %mul3A_22 = arith.muli %add3A_20, %mul3A_21 : i32
      "tpu.region"() ({
        %run_scoped3A = tpu.sem_alloc : memref<!tpu.dma_semaphore, #tpu.memory_space<semaphore_mem>>
        %dma_start3A_63 = arith.constant 0 : i32
        %dma_start3A_64 = tpu.memref_slice %arg2[%mul3A_22, %dma_start3A_63] : memref<327680x128xf32, #tpu.memory_space<hbm>> -> memref<256x128xf32, #tpu.memory_space<hbm>>
        %dma_start3A_65 = arith.constant 0 : i32
        %dma_start3A_66 = tpu.memref_slice %arg2[%mul3A_22, %dma_start3A_65] : memref<327680x128xf32, #tpu.memory_space<hbm>> -> memref<256x128xf32, #tpu.memory_space<hbm>>
        tpu.enqueue_dma source(%dma_start3A_66 : memref<256x128xf32, #tpu.memory_space<hbm>>) target(%arg7 : memref<256x128xf32, #tpu.memory_space<vmem>>) target_semaphore(%run_scoped3A : memref<!tpu.dma_semaphore, #tpu.memory_space<semaphore_mem>>)
        %dma_wait3A_67 = arith.constant 0 : i32
        %dma_wait3A_68 = tpu.memref_slice %arg2[%mul3A_22, %dma_wait3A_67] : memref<327680x128xf32, #tpu.memory_space<hbm>> -> memref<256x128xf32, #tpu.memory_space<hbm>>
        %dma_wait3A_69 = arith.constant 0 : i32
        %dma_wait3A_70 = tpu.memref_slice %arg2[%mul3A_22, %dma_wait3A_69] : memref<327680x128xf32, #tpu.memory_space<hbm>> -> memref<256x128xf32, #tpu.memory_space<hbm>>
        tpu.wait_dma2 semaphore(%run_scoped3A : memref<!tpu.dma_semaphore, #tpu.memory_space<semaphore_mem>>) src(%dma_wait3A_70 : memref<256x128xf32, #tpu.memory_space<hbm>>) dst(%arg7 : memref<256x128xf32, #tpu.memory_space<vmem>>)
        tpu.yield
      }) : () -> ()
      %add3A_23 = arith.constant 0 : i32
      %add3A_24 = arith.addi %mul3A_17, %add3A_23 : i32
      %dma_start3A = arith.constant 0 : i32
      %dma_start3A_25 = arith.constant 0 : i32
      %dma_start3A_26 = tpu.memref_slice %arg7[%dma_start3A, %dma_start3A_25] : memref<256x128xf32, #tpu.memory_space<vmem>> -> memref<128x128xf32, #tpu.memory_space<vmem>>
      %dma_start3A_27 = arith.constant 0 : i32
      %dma_start3A_28 = tpu.memref_slice %arg6[%add3A_24, %dma_start3A_27] : memref<80x128xi32, #tpu.memory_space<vmem>> -> memref<1x128xi32, #tpu.memory_space<vmem>>
      %dma_start3A_29 = tpu.memref_squeeze %dma_start3A_28 : memref<1x128xi32, #tpu.memory_space<vmem>> -> memref<128xi32, #tpu.memory_space<vmem>>
      %dma_start3A_30 = arith.constant 0 : i32
      %dma_start3A_31 = arith.constant 0 : i32
      %dma_start3A_32 = tpu.memref_slice %arg8[%dma_start3A_30, %dma_start3A_31] : memref<10112x128xf32, #tpu.memory_space<vmem_shared>> -> memref<10112x128xf32, #tpu.memory_space<vmem_shared>>
      tpu.enqueue_indirect_dma source(%dma_start3A_26 : memref<128x128xf32, #tpu.memory_space<vmem>>) target(%dma_start3A_32 : memref<10112x128xf32, #tpu.memory_space<vmem_shared>>) offsets(%dma_start3A_29 : memref<128xi32, #tpu.memory_space<vmem>>) semaphore(%arg9 : memref<!tpu.dma_semaphore, #tpu.memory_space<semaphore_mem>>) {add = true}
      %add3A_33 = arith.constant 1 : i32
      %add3A_34 = arith.addi %mul3A_17, %add3A_33 : i32
      %dma_start3A_35 = arith.constant 128 : i32
      %dma_start3A_36 = arith.constant 0 : i32
      %dma_start3A_37 = tpu.memref_slice %arg7[%dma_start3A_35, %dma_start3A_36] : memref<256x128xf32, #tpu.memory_space<vmem>> -> memref<128x128xf32, #tpu.memory_space<vmem>>
      %dma_start3A_38 = arith.constant 0 : i32
      %dma_start3A_39 = tpu.memref_slice %arg6[%add3A_34, %dma_start3A_38] : memref<80x128xi32, #tpu.memory_space<vmem>> -> memref<1x128xi32, #tpu.memory_space<vmem>>
      %dma_start3A_40 = tpu.memref_squeeze %dma_start3A_39 : memref<1x128xi32, #tpu.memory_space<vmem>> -> memref<128xi32, #tpu.memory_space<vmem>>
      %dma_start3A_41 = arith.constant 0 : i32
      %dma_start3A_42 = arith.constant 0 : i32
      %dma_start3A_43 = tpu.memref_slice %arg8[%dma_start3A_41, %dma_start3A_42] : memref<10112x128xf32, #tpu.memory_space<vmem_shared>> -> memref<10112x128xf32, #tpu.memory_space<vmem_shared>>
      tpu.enqueue_indirect_dma source(%dma_start3A_37 : memref<128x128xf32, #tpu.memory_space<vmem>>) target(%dma_start3A_43 : memref<10112x128xf32, #tpu.memory_space<vmem_shared>>) offsets(%dma_start3A_40 : memref<128xi32, #tpu.memory_space<vmem>>) semaphore(%arg9 : memref<!tpu.dma_semaphore, #tpu.memory_space<semaphore_mem>>) {add = true}
      %dma_wait3A = arith.constant 0 : i32
      %dma_wait3A_44 = arith.constant 0 : i32
      %dma_wait3A_45 = arith.constant 0 : i32
      %dma_wait3A_46 = tpu.memref_slice %arg7[%dma_wait3A_44, %dma_wait3A_45] : memref<256x128xf32, #tpu.memory_space<vmem>> -> memref<128x128xf32, #tpu.memory_space<vmem>>
      %dma_wait3A_47 = arith.constant 0 : i32
      %dma_wait3A_48 = tpu.memref_slice %arg6[%dma_wait3A, %dma_wait3A_47] : memref<80x128xi32, #tpu.memory_space<vmem>> -> memref<1x128xi32, #tpu.memory_space<vmem>>
      %dma_wait3A_49 = tpu.memref_squeeze %dma_wait3A_48 : memref<1x128xi32, #tpu.memory_space<vmem>> -> memref<128xi32, #tpu.memory_space<vmem>>
      %dma_wait3A_50 = arith.constant 0 : i32
      %dma_wait3A_51 = arith.constant 0 : i32
      %dma_wait3A_52 = tpu.memref_slice %arg8[%dma_wait3A_50, %dma_wait3A_51] : memref<10112x128xf32, #tpu.memory_space<vmem_shared>> -> memref<10112x128xf32, #tpu.memory_space<vmem_shared>>
      tpu.wait_indirect_dma semaphore(%arg9 : memref<!tpu.dma_semaphore, #tpu.memory_space<semaphore_mem>>) src(%dma_wait3A_46 : memref<128x128xf32, #tpu.memory_space<vmem>>) dst(%dma_wait3A_52 : memref<10112x128xf32, #tpu.memory_space<vmem_shared>>)
      %dma_wait3A_53 = arith.constant 0 : i32
      %dma_wait3A_54 = arith.constant 128 : i32
      %dma_wait3A_55 = arith.constant 0 : i32
      %dma_wait3A_56 = tpu.memref_slice %arg7[%dma_wait3A_54, %dma_wait3A_55] : memref<256x128xf32, #tpu.memory_space<vmem>> -> memref<128x128xf32, #tpu.memory_space<vmem>>
      %dma_wait3A_57 = arith.constant 0 : i32
      %dma_wait3A_58 = tpu.memref_slice %arg6[%dma_wait3A_53, %dma_wait3A_57] : memref<80x128xi32, #tpu.memory_space<vmem>> -> memref<1x128xi32, #tpu.memory_space<vmem>>
      %dma_wait3A_59 = tpu.memref_squeeze %dma_wait3A_58 : memref<1x128xi32, #tpu.memory_space<vmem>> -> memref<128xi32, #tpu.memory_space<vmem>>
      %dma_wait3A_60 = arith.constant 0 : i32
      %dma_wait3A_61 = arith.constant 0 : i32
      %dma_wait3A_62 = tpu.memref_slice %arg8[%dma_wait3A_60, %dma_wait3A_61] : memref<10112x128xf32, #tpu.memory_space<vmem_shared>> -> memref<10112x128xf32, #tpu.memory_space<vmem_shared>>
      tpu.wait_indirect_dma semaphore(%arg9 : memref<!tpu.dma_semaphore, #tpu.memory_space<semaphore_mem>>) src(%dma_wait3A_56 : memref<128x128xf32, #tpu.memory_space<vmem>>) dst(%dma_wait3A_62 : memref<10112x128xf32, #tpu.memory_space<vmem_shared>>)
    }
    %scan3A_9 = arith.constant 40 : i32
    %barrier3A_10 = arith.constant 0 : index
    tpu.barrier barrier_id(%barrier3A_10)
    %mul3A_11 = arith.constant 632 : i32
    %mul3A_12 = arith.muli %arg1, %mul3A_11 : i32
    %mul3A_13 = arith.constant 632 : i32
    %mul3A_14 = arith.muli %arg1, %mul3A_13 : i32
    "tpu.region"() ({
      %run_scoped3A = tpu.sem_alloc : memref<!tpu.dma_semaphore, #tpu.memory_space<semaphore_mem>>
      %dma_start3A = arith.constant 0 : i32
      %dma_start3A_15 = tpu.memref_slice %arg5[%arg0, %mul3A_14, %dma_start3A] : memref<2x10112x128xf32, #tpu.memory_space<hbm>> -> memref<1x632x128xf32, #tpu.memory_space<hbm>>
      %dma_start3A_16 = tpu.memref_squeeze %dma_start3A_15 : memref<1x632x128xf32, #tpu.memory_space<hbm>> -> memref<632x128xf32, #tpu.memory_space<hbm>>
      %dma_start3A_17 = arith.constant 0 : i32
      %dma_start3A_18 = tpu.memref_slice %arg8[%mul3A_12, %dma_start3A_17] : memref<10112x128xf32, #tpu.memory_space<vmem_shared>> -> memref<632x128xf32, #tpu.memory_space<vmem_shared>>
      tpu.enqueue_dma source(%dma_start3A_18 : memref<632x128xf32, #tpu.memory_space<vmem_shared>>) target(%dma_start3A_16 : memref<632x128xf32, #tpu.memory_space<hbm>>) target_semaphore(%run_scoped3A : memref<!tpu.dma_semaphore, #tpu.memory_space<semaphore_mem>>)
      %dma_wait3A = arith.constant 0 : i32
      %dma_wait3A_19 = tpu.memref_slice %arg5[%arg0, %mul3A_14, %dma_wait3A] : memref<2x10112x128xf32, #tpu.memory_space<hbm>> -> memref<1x632x128xf32, #tpu.memory_space<hbm>>
      %dma_wait3A_20 = tpu.memref_squeeze %dma_wait3A_19 : memref<1x632x128xf32, #tpu.memory_space<hbm>> -> memref<632x128xf32, #tpu.memory_space<hbm>>
      %dma_wait3A_21 = arith.constant 0 : i32
      %dma_wait3A_22 = tpu.memref_slice %arg8[%mul3A_12, %dma_wait3A_21] : memref<10112x128xf32, #tpu.memory_space<vmem_shared>> -> memref<632x128xf32, #tpu.memory_space<vmem_shared>>
      tpu.wait_dma2 semaphore(%run_scoped3A : memref<!tpu.dma_semaphore, #tpu.memory_space<semaphore_mem>>) src(%dma_wait3A_22 : memref<632x128xf32, #tpu.memory_space<vmem_shared>>) dst(%dma_wait3A_20 : memref<632x128xf32, #tpu.memory_space<hbm>>)
      tpu.yield
    }) : () -> ()
    return
  }
}

#map = affine_map<(d0, d1) -> (0, 0)>
#map1 = affine_map<(d0, d1) -> (0)>
module attributes {stable_mosaic.version = 14 : i64} {
  func.func @_sc_gather(%arg0: i32, %arg1: i32, %arg2: memref<10000x128xf32, #tpu.memory_space<hbm>>, %arg3: memref<327680xi32, #tpu.memory_space<hbm>>, %arg4: memref<327680x128xf32, #tpu.memory_space<hbm>>, %arg5: memref<10240xi32, #tpu.memory_space<vmem>>, %arg6: memref<256x128xf32, #tpu.memory_space<vmem>>, %arg7: memref<256x128xf32, #tpu.memory_space<vmem>>, %arg8: memref<!tpu.dma_semaphore, #tpu.memory_space<semaphore_mem>>) attributes {dimension_semantics = [#tpu.dimension_semantics<core_parallel>, #tpu.dimension_semantics<subcore_parallel>], iteration_bounds = array<i64: 2, 16>, scalar_prefetch = 0 : i64, scratch_operands = 4 : i64, tpu.core_type = #tpu.core_type<sc_vector_subcore>, window_params = [{transform_indices = #map}, {transform_indices = #map1}, {transform_indices = #map}]} {
    %mul3A = arith.constant 2 : i32
    %mul3A_0 = arith.muli %arg1, %mul3A : i32
    %add3A = arith.addi %mul3A_0, %arg0 : i32
    %mul3A_1 = arith.constant 80 : i32
    %mul3A_2 = arith.muli %add3A, %mul3A_1 : i32
    %mul3A_3 = arith.constant 128 : i32
    %mul3A_4 = arith.muli %mul3A_2, %mul3A_3 : i32
    "tpu.region"() ({
      %run_scoped3A = tpu.sem_alloc : memref<!tpu.dma_semaphore, #tpu.memory_space<semaphore_mem>>
      %dma_start3A = tpu.memref_slice %arg3[%mul3A_4] : memref<327680xi32, #tpu.memory_space<hbm>> -> memref<10240xi32, #tpu.memory_space<hbm>>
      %dma_start3A_10 = tpu.memref_slice %arg3[%mul3A_4] : memref<327680xi32, #tpu.memory_space<hbm>> -> memref<10240xi32, #tpu.memory_space<hbm>>
      tpu.enqueue_dma source(%dma_start3A_10 : memref<10240xi32, #tpu.memory_space<hbm>>) target(%arg5 : memref<10240xi32, #tpu.memory_space<vmem>>) target_semaphore(%run_scoped3A : memref<!tpu.dma_semaphore, #tpu.memory_space<semaphore_mem>>)
      %dma_wait3A = tpu.memref_slice %arg3[%mul3A_4] : memref<327680xi32, #tpu.memory_space<hbm>> -> memref<10240xi32, #tpu.memory_space<hbm>>
      %dma_wait3A_11 = tpu.memref_slice %arg3[%mul3A_4] : memref<327680xi32, #tpu.memory_space<hbm>> -> memref<10240xi32, #tpu.memory_space<hbm>>
      tpu.wait_dma2 semaphore(%run_scoped3A : memref<!tpu.dma_semaphore, #tpu.memory_space<semaphore_mem>>) src(%dma_wait3A_11 : memref<10240xi32, #tpu.memory_space<hbm>>) dst(%arg5 : memref<10240xi32, #tpu.memory_space<vmem>>)
      tpu.yield
    }) : () -> ()
    %scan3A = arith.constant 0 : i32
    %scan3A_5 = arith.constant 0 : i32
    %scan3A_6 = arith.constant 20 : i32
    %scan3A_7 = arith.addi %scan3A_5, %scan3A_6 : i32
    %scan3A_8 = arith.constant 1 : i32
    scf.for %scan3A_10 = %scan3A_5 to %scan3A_7 step %scan3A_8  : i32 {
      %mul3A_11 = arith.constant 2 : i32
      %mul3A_12 = arith.muli %scan3A_10, %mul3A_11 : i32
      %mul3A_13 = arith.constant 256 : i32
      %mul3A_14 = arith.muli %mul3A_12, %mul3A_13 : i32
      %add3A_15 = arith.constant 0 : i32
      %add3A_16 = arith.addi %mul3A_14, %add3A_15 : i32
      %dma_start3A = tpu.memref_slice %arg5[%add3A_16] : memref<10240xi32, #tpu.memory_space<vmem>> -> memref<256xi32, #tpu.memory_space<vmem>>
      %dma_start3A_17 = arith.constant 0 : i32
      %dma_start3A_18 = arith.constant 0 : i32
      %dma_start3A_19 = tpu.memref_slice %arg2[%dma_start3A_17, %dma_start3A_18] : memref<10000x128xf32, #tpu.memory_space<hbm>> -> memref<10000x128xf32, #tpu.memory_space<hbm>>
      tpu.enqueue_indirect_dma source(%dma_start3A_19 : memref<10000x128xf32, #tpu.memory_space<hbm>>) target(%arg6 : memref<256x128xf32, #tpu.memory_space<vmem>>) offsets(%dma_start3A : memref<256xi32, #tpu.memory_space<vmem>>) semaphore(%arg8 : memref<!tpu.dma_semaphore, #tpu.memory_space<semaphore_mem>>)
      %add3A_20 = arith.constant 256 : i32
      %add3A_21 = arith.addi %mul3A_14, %add3A_20 : i32
      %dma_start3A_22 = tpu.memref_slice %arg5[%add3A_21] : memref<10240xi32, #tpu.memory_space<vmem>> -> memref<256xi32, #tpu.memory_space<vmem>>
      %dma_start3A_23 = arith.constant 0 : i32
      %dma_start3A_24 = arith.constant 0 : i32
      %dma_start3A_25 = tpu.memref_slice %arg2[%dma_start3A_23, %dma_start3A_24] : memref<10000x128xf32, #tpu.memory_space<hbm>> -> memref<10000x128xf32, #tpu.memory_space<hbm>>
      tpu.enqueue_indirect_dma source(%dma_start3A_25 : memref<10000x128xf32, #tpu.memory_space<hbm>>) target(%arg7 : memref<256x128xf32, #tpu.memory_space<vmem>>) offsets(%dma_start3A_22 : memref<256xi32, #tpu.memory_space<vmem>>) semaphore(%arg8 : memref<!tpu.dma_semaphore, #tpu.memory_space<semaphore_mem>>)
      %dma_wait3A = arith.constant 0 : i32
      %dma_wait3A_26 = tpu.memref_slice %arg5[%dma_wait3A] : memref<10240xi32, #tpu.memory_space<vmem>> -> memref<256xi32, #tpu.memory_space<vmem>>
      %dma_wait3A_27 = arith.constant 0 : i32
      %dma_wait3A_28 = arith.constant 0 : i32
      %dma_wait3A_29 = tpu.memref_slice %arg2[%dma_wait3A_27, %dma_wait3A_28] : memref<10000x128xf32, #tpu.memory_space<hbm>> -> memref<10000x128xf32, #tpu.memory_space<hbm>>
      tpu.wait_indirect_dma semaphore(%arg8 : memref<!tpu.dma_semaphore, #tpu.memory_space<semaphore_mem>>) src(%dma_wait3A_29 : memref<10000x128xf32, #tpu.memory_space<hbm>>) dst(%arg6 : memref<256x128xf32, #tpu.memory_space<vmem>>)
      %dma_wait3A_30 = arith.constant 0 : i32
      %dma_wait3A_31 = tpu.memref_slice %arg5[%dma_wait3A_30] : memref<10240xi32, #tpu.memory_space<vmem>> -> memref<256xi32, #tpu.memory_space<vmem>>
      %dma_wait3A_32 = arith.constant 0 : i32
      %dma_wait3A_33 = arith.constant 0 : i32
      %dma_wait3A_34 = tpu.memref_slice %arg2[%dma_wait3A_32, %dma_wait3A_33] : memref<10000x128xf32, #tpu.memory_space<hbm>> -> memref<10000x128xf32, #tpu.memory_space<hbm>>
      tpu.wait_indirect_dma semaphore(%arg8 : memref<!tpu.dma_semaphore, #tpu.memory_space<semaphore_mem>>) src(%dma_wait3A_34 : memref<10000x128xf32, #tpu.memory_space<hbm>>) dst(%arg7 : memref<256x128xf32, #tpu.memory_space<vmem>>)
      %add3A_35 = arith.addi %mul3A_4, %mul3A_14 : i32
      %add3A_36 = arith.constant 0 : i32
      %add3A_37 = arith.addi %add3A_35, %add3A_36 : i32
      "tpu.region"() ({
        %run_scoped3A = tpu.sem_alloc : memref<!tpu.dma_semaphore, #tpu.memory_space<semaphore_mem>>
        %dma_start3A_41 = arith.constant 0 : i32
        %dma_start3A_42 = tpu.memref_slice %arg4[%add3A_37, %dma_start3A_41] : memref<327680x128xf32, #tpu.memory_space<hbm>> -> memref<256x128xf32, #tpu.memory_space<hbm>>
        %dma_start3A_43 = arith.constant 0 : i32
        %dma_start3A_44 = tpu.memref_slice %arg4[%add3A_37, %dma_start3A_43] : memref<327680x128xf32, #tpu.memory_space<hbm>> -> memref<256x128xf32, #tpu.memory_space<hbm>>
        tpu.enqueue_dma source(%arg6 : memref<256x128xf32, #tpu.memory_space<vmem>>) target(%dma_start3A_44 : memref<256x128xf32, #tpu.memory_space<hbm>>) target_semaphore(%run_scoped3A : memref<!tpu.dma_semaphore, #tpu.memory_space<semaphore_mem>>)
        %dma_wait3A_45 = arith.constant 0 : i32
        %dma_wait3A_46 = tpu.memref_slice %arg4[%add3A_37, %dma_wait3A_45] : memref<327680x128xf32, #tpu.memory_space<hbm>> -> memref<256x128xf32, #tpu.memory_space<hbm>>
        %dma_wait3A_47 = arith.constant 0 : i32
        %dma_wait3A_48 = tpu.memref_slice %arg4[%add3A_37, %dma_wait3A_47] : memref<327680x128xf32, #tpu.memory_space<hbm>> -> memref<256x128xf32, #tpu.memory_space<hbm>>
        tpu.wait_dma2 semaphore(%run_scoped3A : memref<!tpu.dma_semaphore, #tpu.memory_space<semaphore_mem>>) src(%arg6 : memref<256x128xf32, #tpu.memory_space<vmem>>) dst(%dma_wait3A_48 : memref<256x128xf32, #tpu.memory_space<hbm>>)
        tpu.yield
      }) : () -> ()
      %add3A_38 = arith.addi %mul3A_4, %mul3A_14 : i32
      %add3A_39 = arith.constant 256 : i32
      %add3A_40 = arith.addi %add3A_38, %add3A_39 : i32
      "tpu.region"() ({
        %run_scoped3A = tpu.sem_alloc : memref<!tpu.dma_semaphore, #tpu.memory_space<semaphore_mem>>
        %dma_start3A_41 = arith.constant 0 : i32
        %dma_start3A_42 = tpu.memref_slice %arg4[%add3A_40, %dma_start3A_41] : memref<327680x128xf32, #tpu.memory_space<hbm>> -> memref<256x128xf32, #tpu.memory_space<hbm>>
        %dma_start3A_43 = arith.constant 0 : i32
        %dma_start3A_44 = tpu.memref_slice %arg4[%add3A_40, %dma_start3A_43] : memref<327680x128xf32, #tpu.memory_space<hbm>> -> memref<256x128xf32, #tpu.memory_space<hbm>>
        tpu.enqueue_dma source(%arg7 : memref<256x128xf32, #tpu.memory_space<vmem>>) target(%dma_start3A_44 : memref<256x128xf32, #tpu.memory_space<hbm>>) target_semaphore(%run_scoped3A : memref<!tpu.dma_semaphore, #tpu.memory_space<semaphore_mem>>)
        %dma_wait3A_45 = arith.constant 0 : i32
        %dma_wait3A_46 = tpu.memref_slice %arg4[%add3A_40, %dma_wait3A_45] : memref<327680x128xf32, #tpu.memory_space<hbm>> -> memref<256x128xf32, #tpu.memory_space<hbm>>
        %dma_wait3A_47 = arith.constant 0 : i32
        %dma_wait3A_48 = tpu.memref_slice %arg4[%add3A_40, %dma_wait3A_47] : memref<327680x128xf32, #tpu.memory_space<hbm>> -> memref<256x128xf32, #tpu.memory_space<hbm>>
        tpu.wait_dma2 semaphore(%run_scoped3A : memref<!tpu.dma_semaphore, #tpu.memory_space<semaphore_mem>>) src(%arg7 : memref<256x128xf32, #tpu.memory_space<vmem>>) dst(%dma_wait3A_48 : memref<256x128xf32, #tpu.memory_space<hbm>>)
        tpu.yield
      }) : () -> ()
    }
    %scan3A_9 = arith.constant 20 : i32
    return
  }
}

#map = affine_map<(d0, d1) -> (0, 0)>
#map1 = affine_map<(d0, d1) -> (0, 0, 0)>
module attributes {stable_mosaic.version = 14 : i64} {
  func.func @_sc_scatter(%arg0: i32, %arg1: i32, %arg2: memref<327680x128xf32, #tpu.memory_space<hbm>>, %arg3: memref<2560x128xi32, #tpu.memory_space<hbm>>, %arg4: memref<632x128xf32, #tpu.memory_space<hbm>>, %arg5: memref<2x10112x128xf32, #tpu.memory_space<hbm>>, %arg6: memref<80x128xi32, #tpu.memory_space<vmem>>, %arg7: memref<256x128xf32, #tpu.memory_space<vmem>>, %arg8: memref<10112x128xf32, #tpu.memory_space<vmem_shared>>, %arg9: memref<!tpu.dma_semaphore, #tpu.memory_space<semaphore_mem>>) attributes {dimension_semantics = [#tpu.dimension_semantics<core_parallel>, #tpu.dimension_semantics<subcore_parallel>], iteration_bounds = array<i64: 2, 16>, scalar_prefetch = 0 : i64, scratch_operands = 4 : i64, tpu.core_type = #tpu.core_type<sc_vector_subcore>, window_params = [{transform_indices = #map}, {transform_indices = #map}, {transform_indices = #map}, {transform_indices = #map1}]} {
    %mul3A = arith.constant 2 : i32
    %mul3A_0 = arith.muli %arg1, %mul3A : i32
    %add3A = arith.addi %mul3A_0, %arg0 : i32
    %mul3A_1 = arith.constant 632 : i32
    %mul3A_2 = arith.muli %arg1, %mul3A_1 : i32
    "tpu.region"() ({
      %run_scoped3A = tpu.sem_alloc : memref<!tpu.dma_semaphore, #tpu.memory_space<semaphore_mem>>
      %dma_start3A = arith.constant 0 : i32
      %dma_start3A_15 = tpu.memref_slice %arg8[%mul3A_2, %dma_start3A] : memref<10112x128xf32, #tpu.memory_space<vmem_shared>> -> memref<632x128xf32, #tpu.memory_space<vmem_shared>>
      tpu.enqueue_dma source(%arg4 : memref<632x128xf32, #tpu.memory_space<hbm>>) target(%dma_start3A_15 : memref<632x128xf32, #tpu.memory_space<vmem_shared>>) target_semaphore(%run_scoped3A : memref<!tpu.dma_semaphore, #tpu.memory_space<semaphore_mem>>)
      %dma_wait3A = arith.constant 0 : i32
      %dma_wait3A_16 = tpu.memref_slice %arg8[%mul3A_2, %dma_wait3A] : memref<10112x128xf32, #tpu.memory_space<vmem_shared>> -> memref<632x128xf32, #tpu.memory_space<vmem_shared>>
      tpu.wait_dma2 semaphore(%run_scoped3A : memref<!tpu.dma_semaphore, #tpu.memory_space<semaphore_mem>>) src(%arg4 : memref<632x128xf32, #tpu.memory_space<hbm>>) dst(%dma_wait3A_16 : memref<632x128xf32, #tpu.memory_space<vmem_shared>>)
      tpu.yield
    }) : () -> ()
    %mul3A_3 = arith.constant 80 : i32
    %mul3A_4 = arith.muli %add3A, %mul3A_3 : i32
    "tpu.region"() ({
      %run_scoped3A = tpu.sem_alloc : memref<!tpu.dma_semaphore, #tpu.memory_space<semaphore_mem>>
      %dma_start3A = arith.constant 0 : i32
      %dma_start3A_15 = tpu.memref_slice %arg3[%mul3A_4, %dma_start3A] : memref<2560x128xi32, #tpu.memory_space<hbm>> -> memref<80x128xi32, #tpu.memory_space<hbm>>
      %dma_start3A_16 = arith.constant 0 : i32
      %dma_start3A_17 = tpu.memref_slice %arg3[%mul3A_4, %dma_start3A_16] : memref<2560x128xi32, #tpu.memory_space<hbm>> -> memref<80x128xi32, #tpu.memory_space<hbm>>
      tpu.enqueue_dma source(%dma_start3A_17 : memref<80x128xi32, #tpu.memory_space<hbm>>) target(%arg6 : memref<80x128xi32, #tpu.memory_space<vmem>>) target_semaphore(%run_scoped3A : memref<!tpu.dma_semaphore, #tpu.memory_space<semaphore_mem>>)
      %dma_wait3A = arith.constant 0 : i32
      %dma_wait3A_18 = tpu.memref_slice %arg3[%mul3A_4, %dma_wait3A] : memref<2560x128xi32, #tpu.memory_space<hbm>> -> memref<80x128xi32, #tpu.memory_space<hbm>>
      %dma_wait3A_19 = arith.constant 0 : i32
      %dma_wait3A_20 = tpu.memref_slice %arg3[%mul3A_4, %dma_wait3A_19] : memref<2560x128xi32, #tpu.memory_space<hbm>> -> memref<80x128xi32, #tpu.memory_space<hbm>>
      tpu.wait_dma2 semaphore(%run_scoped3A : memref<!tpu.dma_semaphore, #tpu.memory_space<semaphore_mem>>) src(%dma_wait3A_20 : memref<80x128xi32, #tpu.memory_space<hbm>>) dst(%arg6 : memref<80x128xi32, #tpu.memory_space<vmem>>)
      tpu.yield
    }) : () -> ()
    %barrier3A = arith.constant 0 : index
    tpu.barrier barrier_id(%barrier3A)
    %scan3A = arith.constant 0 : i32
    %scan3A_5 = arith.constant 0 : i32
    %scan3A_6 = arith.constant 40 : i32
    %scan3A_7 = arith.addi %scan3A_5, %scan3A_6 : i32
    %scan3A_8 = arith.constant 1 : i32
    scf.for %scan3A_15 = %scan3A_5 to %scan3A_7 step %scan3A_8  : i32 {
      %mul3A_16 = arith.constant 2 : i32
      %mul3A_17 = arith.muli %scan3A_15, %mul3A_16 : i32
      %mul3A_18 = arith.constant 80 : i32
      %mul3A_19 = arith.muli %add3A, %mul3A_18 : i32
      %add3A_20 = arith.addi %mul3A_19, %mul3A_17 : i32
      %mul3A_21 = arith.constant 128 : i32
      %mul3A_22 = arith.muli %add3A_20, %mul3A_21 : i32
      "tpu.region"() ({
        %run_scoped3A = tpu.sem_alloc : memref<!tpu.dma_semaphore, #tpu.memory_space<semaphore_mem>>
        %dma_start3A_63 = arith.constant 0 : i32
        %dma_start3A_64 = tpu.memref_slice %arg2[%mul3A_22, %dma_start3A_63] : memref<327680x128xf32, #tpu.memory_space<hbm>> -> memref<256x128xf32, #tpu.memory_space<hbm>>
        %dma_start3A_65 = arith.constant 0 : i32
        %dma_start3A_66 = tpu.memref_slice %arg2[%mul3A_22, %dma_start3A_65] : memref<327680x128xf32, #tpu.memory_space<hbm>> -> memref<256x128xf32, #tpu.memory_space<hbm>>
        tpu.enqueue_dma source(%dma_start3A_66 : memref<256x128xf32, #tpu.memory_space<hbm>>) target(%arg7 : memref<256x128xf32, #tpu.memory_space<vmem>>) target_semaphore(%run_scoped3A : memref<!tpu.dma_semaphore, #tpu.memory_space<semaphore_mem>>)
        %dma_wait3A_67 = arith.constant 0 : i32
        %dma_wait3A_68 = tpu.memref_slice %arg2[%mul3A_22, %dma_wait3A_67] : memref<327680x128xf32, #tpu.memory_space<hbm>> -> memref<256x128xf32, #tpu.memory_space<hbm>>
        %dma_wait3A_69 = arith.constant 0 : i32
        %dma_wait3A_70 = tpu.memref_slice %arg2[%mul3A_22, %dma_wait3A_69] : memref<327680x128xf32, #tpu.memory_space<hbm>> -> memref<256x128xf32, #tpu.memory_space<hbm>>
        tpu.wait_dma2 semaphore(%run_scoped3A : memref<!tpu.dma_semaphore, #tpu.memory_space<semaphore_mem>>) src(%dma_wait3A_70 : memref<256x128xf32, #tpu.memory_space<hbm>>) dst(%arg7 : memref<256x128xf32, #tpu.memory_space<vmem>>)
        tpu.yield
      }) : () -> ()
      %add3A_23 = arith.constant 0 : i32
      %add3A_24 = arith.addi %mul3A_17, %add3A_23 : i32
      %dma_start3A = arith.constant 0 : i32
      %dma_start3A_25 = arith.constant 0 : i32
      %dma_start3A_26 = tpu.memref_slice %arg7[%dma_start3A, %dma_start3A_25] : memref<256x128xf32, #tpu.memory_space<vmem>> -> memref<128x128xf32, #tpu.memory_space<vmem>>
      %dma_start3A_27 = arith.constant 0 : i32
      %dma_start3A_28 = tpu.memref_slice %arg6[%add3A_24, %dma_start3A_27] : memref<80x128xi32, #tpu.memory_space<vmem>> -> memref<1x128xi32, #tpu.memory_space<vmem>>
      %dma_start3A_29 = tpu.memref_squeeze %dma_start3A_28 : memref<1x128xi32, #tpu.memory_space<vmem>> -> memref<128xi32, #tpu.memory_space<vmem>>
      %dma_start3A_30 = arith.constant 0 : i32
      %dma_start3A_31 = arith.constant 0 : i32
      %dma_start3A_32 = tpu.memref_slice %arg8[%dma_start3A_30, %dma_start3A_31] : memref<10112x128xf32, #tpu.memory_space<vmem_shared>> -> memref<10112x128xf32, #tpu.memory_space<vmem_shared>>
      tpu.enqueue_indirect_dma source(%dma_start3A_26 : memref<128x128xf32, #tpu.memory_space<vmem>>) target(%dma_start3A_32 : memref<10112x128xf32, #tpu.memory_space<vmem_shared>>) offsets(%dma_start3A_29 : memref<128xi32, #tpu.memory_space<vmem>>) semaphore(%arg9 : memref<!tpu.dma_semaphore, #tpu.memory_space<semaphore_mem>>) {add = true}
      %add3A_33 = arith.constant 1 : i32
      %add3A_34 = arith.addi %mul3A_17, %add3A_33 : i32
      %dma_start3A_35 = arith.constant 128 : i32
      %dma_start3A_36 = arith.constant 0 : i32
      %dma_start3A_37 = tpu.memref_slice %arg7[%dma_start3A_35, %dma_start3A_36] : memref<256x128xf32, #tpu.memory_space<vmem>> -> memref<128x128xf32, #tpu.memory_space<vmem>>
      %dma_start3A_38 = arith.constant 0 : i32
      %dma_start3A_39 = tpu.memref_slice %arg6[%add3A_34, %dma_start3A_38] : memref<80x128xi32, #tpu.memory_space<vmem>> -> memref<1x128xi32, #tpu.memory_space<vmem>>
      %dma_start3A_40 = tpu.memref_squeeze %dma_start3A_39 : memref<1x128xi32, #tpu.memory_space<vmem>> -> memref<128xi32, #tpu.memory_space<vmem>>
      %dma_start3A_41 = arith.constant 0 : i32
      %dma_start3A_42 = arith.constant 0 : i32
      %dma_start3A_43 = tpu.memref_slice %arg8[%dma_start3A_41, %dma_start3A_42] : memref<10112x128xf32, #tpu.memory_space<vmem_shared>> -> memref<10112x128xf32, #tpu.memory_space<vmem_shared>>
      tpu.enqueue_indirect_dma source(%dma_start3A_37 : memref<128x128xf32, #tpu.memory_space<vmem>>) target(%dma_start3A_43 : memref<10112x128xf32, #tpu.memory_space<vmem_shared>>) offsets(%dma_start3A_40 : memref<128xi32, #tpu.memory_space<vmem>>) semaphore(%arg9 : memref<!tpu.dma_semaphore, #tpu.memory_space<semaphore_mem>>) {add = true}
      %dma_wait3A = arith.constant 0 : i32
      %dma_wait3A_44 = arith.constant 0 : i32
      %dma_wait3A_45 = arith.constant 0 : i32
      %dma_wait3A_46 = tpu.memref_slice %arg7[%dma_wait3A_44, %dma_wait3A_45] : memref<256x128xf32, #tpu.memory_space<vmem>> -> memref<128x128xf32, #tpu.memory_space<vmem>>
      %dma_wait3A_47 = arith.constant 0 : i32
      %dma_wait3A_48 = tpu.memref_slice %arg6[%dma_wait3A, %dma_wait3A_47] : memref<80x128xi32, #tpu.memory_space<vmem>> -> memref<1x128xi32, #tpu.memory_space<vmem>>
      %dma_wait3A_49 = tpu.memref_squeeze %dma_wait3A_48 : memref<1x128xi32, #tpu.memory_space<vmem>> -> memref<128xi32, #tpu.memory_space<vmem>>
      %dma_wait3A_50 = arith.constant 0 : i32
      %dma_wait3A_51 = arith.constant 0 : i32
      %dma_wait3A_52 = tpu.memref_slice %arg8[%dma_wait3A_50, %dma_wait3A_51] : memref<10112x128xf32, #tpu.memory_space<vmem_shared>> -> memref<10112x128xf32, #tpu.memory_space<vmem_shared>>
      tpu.wait_indirect_dma semaphore(%arg9 : memref<!tpu.dma_semaphore, #tpu.memory_space<semaphore_mem>>) src(%dma_wait3A_46 : memref<128x128xf32, #tpu.memory_space<vmem>>) dst(%dma_wait3A_52 : memref<10112x128xf32, #tpu.memory_space<vmem_shared>>)
      %dma_wait3A_53 = arith.constant 0 : i32
      %dma_wait3A_54 = arith.constant 128 : i32
      %dma_wait3A_55 = arith.constant 0 : i32
      %dma_wait3A_56 = tpu.memref_slice %arg7[%dma_wait3A_54, %dma_wait3A_55] : memref<256x128xf32, #tpu.memory_space<vmem>> -> memref<128x128xf32, #tpu.memory_space<vmem>>
      %dma_wait3A_57 = arith.constant 0 : i32
      %dma_wait3A_58 = tpu.memref_slice %arg6[%dma_wait3A_53, %dma_wait3A_57] : memref<80x128xi32, #tpu.memory_space<vmem>> -> memref<1x128xi32, #tpu.memory_space<vmem>>
      %dma_wait3A_59 = tpu.memref_squeeze %dma_wait3A_58 : memref<1x128xi32, #tpu.memory_space<vmem>> -> memref<128xi32, #tpu.memory_space<vmem>>
      %dma_wait3A_60 = arith.constant 0 : i32
      %dma_wait3A_61 = arith.constant 0 : i32
      %dma_wait3A_62 = tpu.memref_slice %arg8[%dma_wait3A_60, %dma_wait3A_61] : memref<10112x128xf32, #tpu.memory_space<vmem_shared>> -> memref<10112x128xf32, #tpu.memory_space<vmem_shared>>
      tpu.wait_indirect_dma semaphore(%arg9 : memref<!tpu.dma_semaphore, #tpu.memory_space<semaphore_mem>>) src(%dma_wait3A_56 : memref<128x128xf32, #tpu.memory_space<vmem>>) dst(%dma_wait3A_62 : memref<10112x128xf32, #tpu.memory_space<vmem_shared>>)
    }
    %scan3A_9 = arith.constant 40 : i32
    %barrier3A_10 = arith.constant 0 : index
    tpu.barrier barrier_id(%barrier3A_10)
    %mul3A_11 = arith.constant 632 : i32
    %mul3A_12 = arith.muli %arg1, %mul3A_11 : i32
    %mul3A_13 = arith.constant 632 : i32
    %mul3A_14 = arith.muli %arg1, %mul3A_13 : i32
    "tpu.region"() ({
      %run_scoped3A = tpu.sem_alloc : memref<!tpu.dma_semaphore, #tpu.memory_space<semaphore_mem>>
      %dma_start3A = arith.constant 0 : i32
      %dma_start3A_15 = tpu.memref_slice %arg5[%arg0, %mul3A_14, %dma_start3A] : memref<2x10112x128xf32, #tpu.memory_space<hbm>> -> memref<1x632x128xf32, #tpu.memory_space<hbm>>
      %dma_start3A_16 = tpu.memref_squeeze %dma_start3A_15 : memref<1x632x128xf32, #tpu.memory_space<hbm>> -> memref<632x128xf32, #tpu.memory_space<hbm>>
      %dma_start3A_17 = arith.constant 0 : i32
      %dma_start3A_18 = tpu.memref_slice %arg8[%mul3A_12, %dma_start3A_17] : memref<10112x128xf32, #tpu.memory_space<vmem_shared>> -> memref<632x128xf32, #tpu.memory_space<vmem_shared>>
      tpu.enqueue_dma source(%dma_start3A_18 : memref<632x128xf32, #tpu.memory_space<vmem_shared>>) target(%dma_start3A_16 : memref<632x128xf32, #tpu.memory_space<hbm>>) target_semaphore(%run_scoped3A : memref<!tpu.dma_semaphore, #tpu.memory_space<semaphore_mem>>)
      %dma_wait3A = arith.constant 0 : i32
      %dma_wait3A_19 = tpu.memref_slice %arg5[%arg0, %mul3A_14, %dma_wait3A] : memref<2x10112x128xf32, #tpu.memory_space<hbm>> -> memref<1x632x128xf32, #tpu.memory_space<hbm>>
      %dma_wait3A_20 = tpu.memref_squeeze %dma_wait3A_19 : memref<1x632x128xf32, #tpu.memory_space<hbm>> -> memref<632x128xf32, #tpu.memory_space<hbm>>
      %dma_wait3A_21 = arith.constant 0 : i32
      %dma_wait3A_22 = tpu.memref_slice %arg8[%mul3A_12, %dma_wait3A_21] : memref<10112x128xf32, #tpu.memory_space<vmem_shared>> -> memref<632x128xf32, #tpu.memory_space<vmem_shared>>
      tpu.wait_dma2 semaphore(%run_scoped3A : memref<!tpu.dma_semaphore, #tpu.memory_space<semaphore_mem>>) src(%dma_wait3A_22 : memref<632x128xf32, #tpu.memory_space<vmem_shared>>) dst(%dma_wait3A_20 : memref<632x128xf32, #tpu.memory_space<hbm>>)
      tpu.yield
    }) : () -> ()
    return
  }
}

module attributes {stable_mosaic.version = 14 : i64} {
  func.func @_mlp_body(%arg0: i32, %arg1: memref<1000x128xf32, #tpu.memory_space<vmem>>, %arg2: memref<1000x128xf32, #tpu.memory_space<vmem>>, %arg3: memref<1000x128xf32, #tpu.memory_space<vmem>>, %arg4: memref<128x128xf32, #tpu.memory_space<vmem>>, %arg5: memref<1x128xf32, #tpu.memory_space<vmem>>, %arg6: memref<128x128xf32, #tpu.memory_space<vmem>>, %arg7: memref<1x128xf32, #tpu.memory_space<vmem>>, %arg8: memref<1x1xf32, #tpu.memory_space<vmem>>, %arg9: memref<1000x128xf32, #tpu.memory_space<vmem>>) attributes {dimension_semantics = [#tpu.dimension_semantics<arbitrary>], iteration_bounds = array<i64: 10>, scalar_prefetch = 0 : i64, scratch_operands = 0 : i64, tpu.core_type = #tpu.core_type<tc>, window_params = [{transform_indices = @transform_0, window_bounds = array<i64: 1000, 128>}, {transform_indices = @transform_1, window_bounds = array<i64: 1000, 128>}, {transform_indices = @transform_2, window_bounds = array<i64: 1000, 128>}, {pipeline_mode = #tpu.pipeline_mode<synchronous>, transform_indices = @transform_3, window_bounds = array<i64: 128, 128>}, {pipeline_mode = #tpu.pipeline_mode<synchronous>, transform_indices = @transform_4, window_bounds = array<i64: 1, 128>}, {pipeline_mode = #tpu.pipeline_mode<synchronous>, transform_indices = @transform_5, window_bounds = array<i64: 128, 128>}, {pipeline_mode = #tpu.pipeline_mode<synchronous>, transform_indices = @transform_6, window_bounds = array<i64: 1, 128>}, {pipeline_mode = #tpu.pipeline_mode<synchronous>, transform_indices = @transform_7, window_bounds = array<i64: 1, 1>}, {transform_indices = @transform_8, window_bounds = array<i64: 1000, 128>}]} {
    %get3A = arith.constant 0 : index
    %get3A_0 = arith.constant 0 : index
    %get3A_1 = vector.load %arg8[%get3A, %get3A_0] : memref<1x1xf32, #tpu.memory_space<vmem>>, vector<1x1xf32>
    %get3A_2 = vector.extract %get3A_1[0, 0] : f32 from vector<1x1xf32>
    %add3A = arith.constant 1.000000e+00 : f32
    %add3A_3 = arith.addf %add3A, %get3A_2 : f32
    %get3A_4 = arith.constant 0 : index
    %get3A_5 = arith.constant 0 : index
    %get3A_6 = vector.load %arg1[%get3A_4, %get3A_5] : memref<1000x128xf32, #tpu.memory_space<vmem>>, vector<1000x128xf32>
    %mul3A = vector.broadcast %add3A_3 : f32 to vector<1000x128xf32>
    %mul3A_7 = arith.mulf %mul3A, %get3A_6 : vector<1000x128xf32>
    %get3A_8 = arith.constant 0 : index
    %get3A_9 = arith.constant 0 : index
    %get3A_10 = vector.load %arg2[%get3A_8, %get3A_9] : memref<1000x128xf32, #tpu.memory_space<vmem>>, vector<1000x128xf32>
    %add3A_11 = arith.addf %mul3A_7, %get3A_10 : vector<1000x128xf32>
    %get3A_12 = arith.constant 0 : index
    %get3A_13 = arith.constant 0 : index
    %get3A_14 = vector.load %arg3[%get3A_12, %get3A_13] : memref<1000x128xf32, #tpu.memory_space<vmem>>, vector<1000x128xf32>
    %add3A_15 = arith.addf %add3A_11, %get3A_14 : vector<1000x128xf32>
    %get3A_16 = arith.constant 0 : index
    %get3A_17 = arith.constant 0 : index
    %get3A_18 = vector.load %arg4[%get3A_16, %get3A_17] : memref<128x128xf32, #tpu.memory_space<vmem>>, vector<128x128xf32>
    %dot_general3A = arith.constant dense<0.000000e+00> : vector<1000x128xf32>
    %dot_general3A_19 = tpu.matmul %add3A_15, %get3A_18, %dot_general3A {dimension_numbers = #tpu.dot_dimension_numbers<[1], [0], [0], [1], [0, 0, 1, 1], [], []>, transpose_lhs_hint = false} : vector<1000x128xf32>, vector<128x128xf32>, vector<1000x128xf32> -> vector<1000x128xf32>
    %get3A_20 = arith.constant 0 : index
    %get3A_21 = arith.constant 0 : index
    %get3A_22 = vector.load %arg5[%get3A_20, %get3A_21] : memref<1x128xf32, #tpu.memory_space<vmem>>, vector<1x128xf32>
    %add3A_23 = vector.broadcast %get3A_22 : vector<1x128xf32> to vector<1000x128xf32>
    %add3A_24 = arith.addf %dot_general3A_19, %add3A_23 : vector<1000x128xf32>
    %max3A = arith.constant 0.000000e+00 : f32
    %max3A_25 = vector.broadcast %max3A : f32 to vector<1000x128xf32>
    %max3A_26 = arith.maximumf %add3A_24, %max3A_25 : vector<1000x128xf32>
    %get3A_27 = arith.constant 0 : index
    %get3A_28 = arith.constant 0 : index
    %get3A_29 = vector.load %arg6[%get3A_27, %get3A_28] : memref<128x128xf32, #tpu.memory_space<vmem>>, vector<128x128xf32>
    %dot_general3A_30 = arith.constant dense<0.000000e+00> : vector<1000x128xf32>
    %dot_general3A_31 = tpu.matmul %max3A_26, %get3A_29, %dot_general3A_30 {dimension_numbers = #tpu.dot_dimension_numbers<[1], [0], [0], [1], [0, 0, 1, 1], [], []>, transpose_lhs_hint = false} : vector<1000x128xf32>, vector<128x128xf32>, vector<1000x128xf32> -> vector<1000x128xf32>
    %get3A_32 = arith.constant 0 : index
    %get3A_33 = arith.constant 0 : index
    %get3A_34 = vector.load %arg7[%get3A_32, %get3A_33] : memref<1x128xf32, #tpu.memory_space<vmem>>, vector<1x128xf32>
    %add3A_35 = vector.broadcast %get3A_34 : vector<1x128xf32> to vector<1000x128xf32>
    %add3A_36 = arith.addf %dot_general3A_31, %add3A_35 : vector<1000x128xf32>
    %max3A_37 = arith.constant 0.000000e+00 : f32
    %max3A_38 = vector.broadcast %max3A_37 : f32 to vector<1000x128xf32>
    %max3A_39 = arith.maximumf %add3A_36, %max3A_38 : vector<1000x128xf32>
    %swap3A = arith.constant 0 : index
    %swap3A_40 = arith.constant 0 : index
    %swap3A_41 = vector.load %arg9[%swap3A, %swap3A_40] : memref<1000x128xf32, #tpu.memory_space<vmem>>, vector<1000x128xf32>
    tpu.vector_store %arg9[%swap3A, %swap3A_40], %max3A_39 {strides = array<i32>} : memref<1000x128xf32, #tpu.memory_space<vmem>>, vector<1000x128xf32>,
    return
  }
  func.func @transform_0(%arg0: i32) -> (i32, i32) {
    %c0_i32 = arith.constant 0 : i32
    %c0_i32_0 = arith.constant 0 : i32
    return %arg0, %c0_i32 : i32, i32
  }
  func.func @transform_1(%arg0: i32) -> (i32, i32) {
    %c0_i32 = arith.constant 0 : i32
    %c0_i32_0 = arith.constant 0 : i32
    return %arg0, %c0_i32 : i32, i32
  }
  func.func @transform_2(%arg0: i32) -> (i32, i32) {
    %c0_i32 = arith.constant 0 : i32
    %c0_i32_0 = arith.constant 0 : i32
    return %arg0, %c0_i32 : i32, i32
  }
  func.func @transform_3(%arg0: i32) -> (i32, i32) {
    %c0_i32 = arith.constant 0 : i32
    %c0_i32_0 = arith.constant 0 : i32
    %c0_i32_1 = arith.constant 0 : i32
    return %c0_i32, %c0_i32_0 : i32, i32
  }
  func.func @transform_4(%arg0: i32) -> (i32, i32) {
    %c0_i32 = arith.constant 0 : i32
    %c0_i32_0 = arith.constant 0 : i32
    %c0_i32_1 = arith.constant 0 : i32
    return %c0_i32, %c0_i32_0 : i32, i32
  }
  func.func @transform_5(%arg0: i32) -> (i32, i32) {
    %c0_i32 = arith.constant 0 : i32
    %c0_i32_0 = arith.constant 0 : i32
    %c0_i32_1 = arith.constant 0 : i32
    return %c0_i32, %c0_i32_0 : i32, i32
  }
  func.func @transform_6(%arg0: i32) -> (i32, i32) {
    %c0_i32 = arith.constant 0 : i32
    %c0_i32_0 = arith.constant 0 : i32
    %c0_i32_1 = arith.constant 0 : i32
    return %c0_i32, %c0_i32_0 : i32, i32
  }
  func.func @transform_7(%arg0: i32) -> (i32, i32) {
    %c0_i32 = arith.constant 0 : i32
    %c0_i32_0 = arith.constant 0 : i32
    %c0_i32_1 = arith.constant 0 : i32
    return %c0_i32, %c0_i32_0 : i32, i32
  }
  func.func @transform_8(%arg0: i32) -> (i32, i32) {
    %c0_i32 = arith.constant 0 : i32
    %c0_i32_0 = arith.constant 0 : i32
    return %arg0, %c0_i32 : i32, i32
  }
}

module attributes {stable_mosaic.version = 14 : i64} {
  func.func @_pool_body(%arg0: i32, %arg1: memref<1000x128xf32, #tpu.memory_space<vmem>>, %arg2: memref<1000x1xi32, #tpu.memory_space<vmem>>, %arg3: memref<128x10xf32, #tpu.memory_space<vmem>>, %arg4: memref<1x10xf32, #tpu.memory_space<vmem>>, %arg5: memref<256x10xf32, #tpu.memory_space<vmem>>, %arg6: memref<256x128xf32, #tpu.memory_space<vmem>>) attributes {dimension_semantics = [#tpu.dimension_semantics<arbitrary>], iteration_bounds = array<i64: 10>, scalar_prefetch = 0 : i64, scratch_operands = 1 : i64, tpu.core_type = #tpu.core_type<tc>, window_params = [{transform_indices = @transform_0, window_bounds = array<i64: 1000, 128>}, {transform_indices = @transform_1, window_bounds = array<i64: 1000, 1>}, {pipeline_mode = #tpu.pipeline_mode<synchronous>, transform_indices = @transform_2, window_bounds = array<i64: 128, 10>}, {pipeline_mode = #tpu.pipeline_mode<synchronous>, transform_indices = @transform_3, window_bounds = array<i64: 1, 10>}, {pipeline_mode = #tpu.pipeline_mode<synchronous>, transform_indices = @transform_4, window_bounds = array<i64: 256, 10>}]} {
    %eq3A = arith.constant 0 : i32
    %eq3A_0 = arith.cmpi eq, %arg0, %eq3A : i32
    %convert_element_type3A = arith.extui %eq3A_0 : i1 to i32
    %cond3A = arith.constant 0 : i32
    %cond3A_1 = arith.cmpi ne, %convert_element_type3A, %cond3A : i32
    scf.if %cond3A_1 {
      %broadcast_in_dim3A = arith.constant 0.000000e+00 : f32
      %broadcast_in_dim3A_22 = vector.broadcast %broadcast_in_dim3A : f32 to vector<256x128xf32>
      %swap3A_23 = arith.constant 0 : index
      %swap3A_24 = arith.constant 0 : index
      %swap3A_25 = vector.load %arg6[%swap3A_23, %swap3A_24] : memref<256x128xf32, #tpu.memory_space<vmem>>, vector<256x128xf32>
      tpu.vector_store %arg6[%swap3A_23, %swap3A_24], %broadcast_in_dim3A_22 {strides = array<i32>} : memref<256x128xf32, #tpu.memory_space<vmem>>, vector<256x128xf32>,
    } else {
    }
    %iota3A = tpu.iota {dimensions = array<i32: 1>} : vector<1000x256xi32>
    %get3A = arith.constant 0 : index
    %get3A_2 = arith.constant 0 : index
    %get3A_3 = vector.load %arg2[%get3A, %get3A_2] : memref<1000x1xi32, #tpu.memory_space<vmem>>, vector<1000x1xi32>
    %eq3A_4 = vector.broadcast %get3A_3 : vector<1000x1xi32> to vector<1000x256xi32>
    %eq3A_5 = arith.cmpi eq, %eq3A_4, %iota3A : vector<1000x256xi32>
    %convert_element_type3A_6 = arith.extui %eq3A_5 : vector<1000x256xi1> to vector<1000x256xi32>
    %convert_element_type3A_7 = arith.sitofp %convert_element_type3A_6 : vector<1000x256xi32> to vector<1000x256xf32>
    %get3A_8 = arith.constant 0 : index
    %get3A_9 = arith.constant 0 : index
    %get3A_10 = vector.load %arg6[%get3A_8, %get3A_9] : memref<256x128xf32, #tpu.memory_space<vmem>>, vector<256x128xf32>
    %get3A_11 = arith.constant 0 : index
    %get3A_12 = arith.constant 0 : index
    %get3A_13 = vector.load %arg1[%get3A_11, %get3A_12] : memref<1000x128xf32, #tpu.memory_space<vmem>>, vector<1000x128xf32>
    %dot_general3A = arith.constant dense<0.000000e+00> : vector<256x128xf32>
    %dot_general3A_14 = tpu.matmul %convert_element_type3A_7, %get3A_13, %dot_general3A {dimension_numbers = #tpu.dot_dimension_numbers<[0], [0], [1], [1], [0, 1, 1, 1], [], []>, transpose_lhs_hint = false} : vector<1000x256xf32>, vector<1000x128xf32>, vector<256x128xf32> -> vector<256x128xf32>
    %add3A = arith.addf %get3A_10, %dot_general3A_14 : vector<256x128xf32>
    %swap3A = arith.constant 0 : index
    %swap3A_15 = arith.constant 0 : index
    %swap3A_16 = vector.load %arg6[%swap3A, %swap3A_15] : memref<256x128xf32, #tpu.memory_space<vmem>>, vector<256x128xf32>
    tpu.vector_store %arg6[%swap3A, %swap3A_15], %add3A {strides = array<i32>} : memref<256x128xf32, #tpu.memory_space<vmem>>, vector<256x128xf32>,
    %eq3A_17 = arith.constant 9 : i32
    %eq3A_18 = arith.cmpi eq, %arg0, %eq3A_17 : i32
    %convert_element_type3A_19 = arith.extui %eq3A_18 : i1 to i32
    %cond3A_20 = arith.constant 0 : i32
    %cond3A_21 = arith.cmpi ne, %convert_element_type3A_19, %cond3A_20 : i32
    scf.if %cond3A_21 {
      %get3A_22 = arith.constant 0 : index
      %get3A_23 = arith.constant 0 : index
      %get3A_24 = vector.load %arg6[%get3A_22, %get3A_23] : memref<256x128xf32, #tpu.memory_space<vmem>>, vector<256x128xf32>
      %get3A_25 = arith.constant 0 : index
      %get3A_26 = arith.constant 0 : index
      %get3A_27 = vector.load %arg3[%get3A_25, %get3A_26] : memref<128x10xf32, #tpu.memory_space<vmem>>, vector<128x10xf32>
      %dot_general3A_28 = arith.constant dense<0.000000e+00> : vector<256x10xf32>
      %dot_general3A_29 = tpu.matmul %get3A_24, %get3A_27, %dot_general3A_28 {dimension_numbers = #tpu.dot_dimension_numbers<[1], [0], [0], [1], [0, 0, 1, 1], [], []>, transpose_lhs_hint = false} : vector<256x128xf32>, vector<128x10xf32>, vector<256x10xf32> -> vector<256x10xf32>
      %get3A_30 = arith.constant 0 : index
      %get3A_31 = arith.constant 0 : index
      %get3A_32 = vector.load %arg4[%get3A_30, %get3A_31] : memref<1x10xf32, #tpu.memory_space<vmem>>, vector<1x10xf32>
      %add3A_33 = vector.broadcast %get3A_32 : vector<1x10xf32> to vector<256x10xf32>
      %add3A_34 = arith.addf %dot_general3A_29, %add3A_33 : vector<256x10xf32>
      %swap3A_35 = arith.constant 0 : index
      %swap3A_36 = arith.constant 0 : index
      %swap3A_37 = vector.load %arg5[%swap3A_35, %swap3A_36] : memref<256x10xf32, #tpu.memory_space<vmem>>, vector<256x10xf32>
      tpu.vector_store %arg5[%swap3A_35, %swap3A_36], %add3A_34 {strides = array<i32>} : memref<256x10xf32, #tpu.memory_space<vmem>>, vector<256x10xf32>,
    } else {
    }
    return
  }
  func.func @transform_0(%arg0: i32) -> (i32, i32) {
    %c0_i32 = arith.constant 0 : i32
    %c0_i32_0 = arith.constant 0 : i32
    return %arg0, %c0_i32 : i32, i32
  }
  func.func @transform_1(%arg0: i32) -> (i32, i32) {
    %c0_i32 = arith.constant 0 : i32
    %c0_i32_0 = arith.constant 0 : i32
    return %arg0, %c0_i32 : i32, i32
  }
  func.func @transform_2(%arg0: i32) -> (i32, i32) {
    %c0_i32 = arith.constant 0 : i32
    %c0_i32_0 = arith.constant 0 : i32
    %c0_i32_1 = arith.constant 0 : i32
    return %c0_i32, %c0_i32_0 : i32, i32
  }
  func.func @transform_3(%arg0: i32) -> (i32, i32) {
    %c0_i32 = arith.constant 0 : i32
    %c0_i32_0 = arith.constant 0 : i32
    %c0_i32_1 = arith.constant 0 : i32
    return %c0_i32, %c0_i32_0 : i32, i32
  }
  func.func @transform_4(%arg0: i32) -> (i32, i32) {
    %c0_i32 = arith.constant 0 : i32
    %c0_i32_0 = arith.constant 0 : i32
    %c0_i32_1 = arith.constant 0 : i32
    return %c0_i32, %c0_i32_0 : i32, i32
  }
}

</mosaic_0001>

<sc_bundles>
// kernel: kernel.12.cloned.1.call-start
scs
__scs_entry_jumppad:
0x0: {  	(pc) =	sbr.rel $0x88, $3  }
0x1: {  	(tag) =	ssettag $0x0;
	lr =	simm.s32 $0x1  }
0x2: {  	[smem:$0x3F8D] =	sst lr;
	_ =	strace $0xD0000000  }
0x3: {  	_ = 	snop  }
0x4: {  	_ = 	snop  }
0x5: {  	_ = 	snop  }
0x6: {  	_ = 	snop  }
0x7: {  	_ = 	snop  }
__scs_overlays_trampoline_lowered:
0x8: {  	[smem:$0x3F9C] =	sst s0  }
0x9: {  	[smem:$0x3F9D] =	sst s1  }
0xa: {  	[smem:$0x3F9E] =	sst s2  }
0xb: {  	[smem:$0x3F9F] =	sst s3  }
0xc: {  	[smem:$0x3FA0] =	sst s4  }
0xd: {  	[smem:$0x3FA1] =	sst s5  }
0xe: {  	[smem:$0x3FA2] =	sst s6  }
0xf: {  	[smem:$0x3FA3] =	sst s7  }
0x10: {  	[smem:$0x3FA4] =	sst s8  }
0x11: {  	[smem:$0x3FA5] =	sst s9;
	s0 =	simm.s32 @!p0 $0x0  }
0x12: {  	s1 =	sld [smem:$0x3F8B];
	s0 =	simm.s32 @p0 $0x1  }
0x13: {  	[smem:$0x3FA6] =	sst s0;
	s0 =	simm.s32 @!p1 $0x0  }
0x14: {  	s2 =	sld [smem:$0x3F8A];
	s0 =	simm.s32 @p1 $0x1  }
0x15: {  	[smem:$0x3FA7] =	sst s0;
	s0 =	simm.s32 @!p2 $0x0  }
0x16: {  	s3 =	sld [smem:$0x3FDB];
	s0 =	simm.s32 @p2 $0x1  }
0x17: {  	s4 =	simm.s32 $0x1BF5;
	[smem:$0x3FA9] =	sst s0  }
0x18: {  	s0 =	sld [smem:$0x3F8C];
	_ =	swait.ge [sflag:s4], $0x0  }
0x19: {  	s7 =	sld [smem:$0x3F8D]  }
0x1a: {  	s8 =	sadd.s32 $0xFFFFE003, lr  }
0x1b: {  	s9 =	sadd.s32 $0xFFFFFEF7, lr;
	s5 =	simm.s32 $0xFFFFFFFF;
	p2 =	slt.u32 s8, $0xFFFFF086  }
0x1c: {  	p1 =	slt.u32 s9, $0xF7A;
	s5 =	simm.s32 @!p2 $0x0  }
0x1d: {  	s5 =	simm.s32 @p1 $0x1;
	p0 =	seq.s32 s7, s2  }
0x1e: {  	s7 =	smul.u32 @!p0 $0xF7A, s2;
	p2 =	seq.s32 @!p0 s5, $0x0  }
0x1f: {  	s9 =	smul.u32 $0xF7A, s1;
	s8 =	simm.s32 @!p0 $0x1BF5;
	p2 =	por !p2, p0  }
0x20: {  	[sflag:s8] =	ssyncset.s32 @!p0 $0xFFFFF086;
	s6 =	sadd.s32 @!p0 s3, s7;
	s7 =	simm.s32 @!p0 $0x108  }
0x21: {  	s3 =	sadd.s32 s3, s9;
	s6 =	sadd.s32 @!p0 $0x88, s6;
	s7 =	simm.s32 @p2 $0x1082  }
0x22: {  	[simem:s7], [sflag:s8] =	dma.local @!p0 [hbm:s6], $0xF7A  }
0x23: {  	s9 =	sor.u32 $0xD0000000, s2;
	s6 =	simm.s32 $0x108;
	_ =	swait.ge @!p0 [sflag:s8], $0x0  }
0x24: {  	s3 =	sadd.s32 $0x88, s3;
	s6 =	simm.s32 @!p1 $0x1082;
	[sflag:s4] =	ssyncset.s32 $0xFFFFF086  }
0x25: {  	[simem:s6], [sflag:s4] =	dma.local [hbm:s3], $0xF7A  }
0x26: {  	[smem:$0x3F8D] =	sst s1;
	(tag) =	ssettag s2;
	_ =	strace s9  }
0x27: {  	s1 =	sld [smem:$0x3F9D]  }
0x28: {  	s2 =	sld [smem:$0x3F9E]  }
0x29: {  	s4 =	sld [smem:$0x3FA0]  }
0x2a: {  	p0 =	seq.s32 s5, $0x0;
	s5 =	sld [smem:$0x3FA1]  }
0x2b: {  	s6 =	sld [smem:$0x3FA2]  }
0x2c: {  	s7 =	sld [smem:$0x3FA3]  }
0x2d: {  	s3 =	simm.s32 $0x108;
	s8 =	sld [smem:$0x3FA4]  }
0x2e: {  	s3 =	simm.s32 @!p0 $0x1082;
	s9 =	sld [smem:$0x3FA5]  }
0x2f: {  	lr =	sadd.s32 s0, s3;
	s0 =	sld [smem:$0x3F9C]  }
0x30: {  	s3 =	sld [smem:$0x3F9F]  }
0x31: {  	[smem:$0x3FA8] =	sst s10  }
0x32: {  	s10 =	sld [smem:$0x3FA6];
	_ =	sdelay $0x3  }
0x33: {  	p0 =	seq.s32 s10, $0x1;
	s10 =	sld [smem:$0x3FA8];
	_ =	sdelay $0x3  }
0x34: {  	[smem:$0x3FA8] =	sst s10  }
0x35: {  	s10 =	sld [smem:$0x3FA7];
	_ =	sdelay $0x3  }
0x36: {  	p1 =	seq.s32 s10, $0x1;
	s10 =	sld [smem:$0x3FA8];
	_ =	sdelay $0x3  }
0x37: {  	[smem:$0x3FA8] =	sst s10  }
0x38: {  	s10 =	sld [smem:$0x3FA9]  }
0x39: {  	_ = 	snop;
	(pc) =	sbr.ind lr, $3  }
0x3a: {  	_ = 	snop  }
0x3b: {  	_ = 	snop  }
0x3c: {  	p2 =	seq.s32 s10, $0x1;
	s10 =	sld [smem:$0x3FA8]  }
0x3d: {  	_ =	shalt  }
0x3e: {  	_ =	shalt  }
0x3f: {  	_ =	shalt  }
0x40: {  	_ =	shalt  }
0x41: {  	_ =	shalt  }
0x42: {  	_ =	shalt  }
0x43: {  	_ =	shalt  }
0x44: {  	_ =	shalt  }
0x45: {  	_ =	shalt  }
0x46: {  	_ =	shalt  }
0x47: {  	_ =	shalt  }
0x48: {  	_ =	shalt  }
0x49: {  	_ =	shalt  }
0x4a: {  	_ =	shalt  }
0x4b: {  	_ =	shalt  }
0x4c: {  	_ =	shalt  }
0x4d: {  	_ =	shalt  }
0x4e: {  	_ =	shalt  }
0x4f: {  	_ =	shalt  }
0x50: {  	_ =	shalt  }
0x51: {  	_ =	shalt  }
0x52: {  	_ =	shalt  }
0x53: {  	_ =	shalt  }
0x54: {  	_ =	shalt  }
0x55: {  	_ =	shalt  }
0x56: {  	_ =	shalt  }
0x57: {  	_ =	shalt  }
0x58: {  	_ =	shalt  }
0x59: {  	_ =	shalt  }
0x5a: {  	_ =	shalt  }
0x5b: {  	_ =	shalt  }
0x5c: {  	_ =	shalt  }
0x5d: {  	_ =	shalt  }
0x5e: {  	_ =	shalt  }
0x5f: {  	_ =	shalt  }
0x60: {  	_ =	shalt  }
0x61: {  	_ =	shalt  }
0x62: {  	_ =	shalt  }
0x63: {  	_ =	shalt  }
0x64: {  	_ =	shalt  }
0x65: {  	_ =	shalt  }
0x66: {  	_ =	shalt  }
0x67: {  	_ =	shalt  }
0x68: {  	_ =	shalt  }
0x69: {  	_ =	shalt  }
0x6a: {  	_ =	shalt  }
0x6b: {  	_ =	shalt  }
0x6c: {  	_ =	shalt  }
0x6d: {  	_ =	shalt  }
0x6e: {  	_ =	shalt  }
0x6f: {  	_ =	shalt  }
0x70: {  	_ =	shalt  }
0x71: {  	_ =	shalt  }
0x72: {  	_ =	shalt  }
0x73: {  	_ =	shalt  }
0x74: {  	_ =	shalt  }
0x75: {  	_ =	shalt  }
0x76: {  	_ =	shalt  }
0x77: {  	_ =	shalt  }
0x78: {  	_ =	shalt  }
0x79: {  	_ =	shalt  }
0x7a: {  	_ =	shalt  }
0x7b: {  	_ =	shalt  }
0x7c: {  	_ =	shalt  }
0x7d: {  	_ =	shalt  }
0x7e: {  	_ =	shalt  }
0x7f: {  	_ =	shalt  }
0x80: {  	_ =	shalt  }
0x81: {  	_ =	shalt  }
0x82: {  	_ =	shalt  }
0x83: {  	_ =	shalt  }
0x84: {  	_ =	shalt  }
0x85: {  	_ =	shalt  }
0x86: {  	_ =	shalt  }
0x87: {  	_ =	shalt  }
.Lfunc_end0:
.L_simem_size_0:
called_computation_lowered:
.L_overlay_start_0:
0x88: {  	s2 =	sld [smem:$0x3FD9]  }
0x89: {  	s3 =	sld [smem:$0x3FFE];
	_ =	sdelay $0x1  }
0x8a: {  	s1 =	srdreg.scid  }
0x8b: {  	s0 =	sand.u32 $0x1, s1  }
0x8c: {  	s17 =	sshll.u32 s0, $0xA;
	s2 =	sadd.s32 s3, s2  }
0x8d: {  	s2 =	sadd.s32 s2, s17  }
0x8e: {  	[smem:$0x3FB4] =	sst s2  }
0x8f: {  	_ = 	snop  }
0x90: {  	s2 =	sld [smem:$0x3FC9];
	(tm) =	ssettm $0x1  }
0x91: {  	s18 =	sld [smem:$0x3FFB];
	_ =	sdelay $0x3  }
0x92: {  	_ =	strace s18  }
0x93: {  	s3 =	sld [smem:$0x3FFC];
	_ =	sdelay $0x3  }
0x94: {  	_ =	strace s3  }
0x95: {  	s3 =	sld [smem:$0x3FFD];
	_ =	sdelay $0x3  }
0x96: {  	_ =	strace s3  }
0x97: {  	_ =	strace $0x8FFFFFFF  }
0x98: {  	s19 =	sld [smem:$0x3FDB];
	_ =	sdelay $0x1  }
0x99: {  	s4 =	simm.s32 $_scs_section_size  }
0x9a: {  	s5 =	simm.s32 $_size__tile_overlayer_lowered;
	s6 =	simm.s32 $_tile_overlayer_lowered  }
0x9b: {  	s22 =	simm.s32 $0x1BFF;
	s21 =	sshll.u32 s6, $0x1;
	s3 =	sadd.s32 s4, s19  }
0x9c: {  	s7 =	simm.s32 $0x0;
	s20 =	sshll.u32 s5, $0x1;
	s5 =	sadd.s32 s21, s3  }
0x9d: {  	[timem:s7], [sflag:s22] =	dma.local [hbm:s5], s20  }
0x9e: {  	_ =	swait.ge [sflag:s22], s20  }
0x9f: {  	s4 =	ssub.s32 $0x0, s20;
	[sflag:s22] =	ssyncset.done $0x0  }
0xa0: {  	[sflag:s22] =	ssyncadd.s32 s4;
	_ =	sdelay $0x1  }
0xa1: {  	s23 =	simm.s32 $0x1B8B  }
0xa2: {  	_ =	swait.ge [sflag:s23], $0x1  }
0xa3: {  	[sflag:s23] =	ssyncset.done $0x0  }
0xa4: {  	s25 =	simm.s32 $0x1B8E;
	s24 =	sld [smem:$0x3FFE];
	[sflag:s23] =	ssyncadd.s32 $0xFFFFFFFF  }
0xa5: {  	s26 =	simm.s32 $execute0_lowered;
	[smem:$0x3FD2] =	sst s25  }
0xa6: {  	s5 =	sshll.u32 s26, $0x1;
	_ =	strace $0x80000046;
	[dreg:$0x1] =	wrdreg $0xFFFFFFFF  }
0xa7: {  	s28 =	simm.s32 $_size_execute0_lowered;
	s3 =	sadd.s32 s3, s5;
	[dreg:$0x0] =	wrdreg $0x0  }
0xa8: {  	s5 =	sshll.u32 s28, $0x1;
	[dreg:$0x2] =	wrdreg s3  }
0xa9: {  	[dreg:$0x3] =	wrdreg s5  }
0xaa: {  	[dreg:$0x4] =	wrdreg $0xC0  }
0xab: {  	_ =	task [dreg:s7], $0x5FFFF  }
0xac: {  	[dreg:$0x1] =	wrdreg $0xFFFFFFFF  }
0xad: {  	[dreg:$0x0] =	wrdreg $0x60  }
0xae: {  	[dreg:$0x2] =	wrdreg s2  }
0xaf: {  	[dreg:$0x3] =	wrdreg s24  }
0xb0: {  	[dreg:$0x4] =	wrdreg $0x9  }
0xb1: {  	_ =	task.clear_ibuf [dreg:s7], $0x5FFFF;
	_ =	strace $0x90000046  }
0xb2: {  	s29 =	simm.s32 $0x9;
	_ =	strace $0x80000048  }
0xb3: {  	_ =	swait.ge [sflag:s29], $0x1  }
0xb4: {  	[sflag:s29] =	ssyncadd.s32 $0xFFFFFFFF  }
0xb5: {  	_ =	strace $0x90000048  }
0xb6: {  	_ =	sfence  }
0xb7: {  	s30 =	sld [smem:$0x0];
	_ =	sdelay $0x2  }
0xb8: {  	s31 =	sshll.u32 s1, $0xD;
	s1 =	sshrl.u32 s1, $0x2  }
0xb9: {  	s3 =	sand.u32 $0x4000, s31;
	s1 =	sadd.s32 s1, s30  }
0xba: {  	s0 =	sor.u32 s3, s0;
	s1 =	sshll.u32 s1, $0x11  }
0xbb: {  	s0 =	sor.u32 s1, s0  }
0xbc: {  	s0 =	sadd.s32 $0x8F2B, s0  }
0xbd: {  	[sflag:s0] =	ssyncadd.remote.s32 $0x1  }
0xbe: {  	_ =	sfence.sel $0xFFFF  }
0xbf: {  	[dreg:$0x0] =	wrdreg $0xFFFFFFFF;
	(pc) =	sbr.abs _section_cstart, $3  }
0xc0: {  	[dreg:$0x1] =	wrdreg $0xFFFFFFFF  }
0xc1: {  	_ =	task.clear_ibuf [dreg:s7], $0x2FFFF;
	_ =	strace $0x9FFFFFFF  }
0xc2: {  	(tm) =	ssettm $0x7FFFFFFF  }
0xc3: {  	_ =	shalt  }
tec
execute0_lowered:
.L_overlay_start_1:
0x0: {  	(tag) =	ssettag $0x1  }
0x1: {  	s1 =	srdreg.scid  }
0x2: {  	s0 =	stileid.u32;
	s2 =	rddreg [dreg:$0x0]  }
0x3: {  	s5 =	rddreg [dreg:$0x1];
	s3 =	simm.s32 $0x0;
	s10 =	simm.s32 $0xA800  }
0x4: {  	s11 =	simm.s32 $0x1;
	s12 =	simm.s32 $0x0;
	s4 =	sand.u32 $0x1, s1  }
0x5: {  	s30 =	sshll.u32 s0, $0x1;
	s1 =	rddreg [dreg:$0x2];
	s7 =	smul.u32 $0x50000, s0  }
0x6: {  	s6 =	sor.u32 s4, s30;
	s8 =	ssub.s32 $0x2, s4;
	s4 =	smul.u32 $0x28000, s4  }
0x7: {  	[smem:$0x7FF] =	sst s3;
	s6 =	smul.u32 $0x2800, s6;
	s9 =	sshrl.u32 s8, $0x1  }
0x8: {  	_ =	strace $0x80000047;
	s7 =	sadd.s32 s7, s5;
	s31 =	ssub.s32 s8, s9  }
0x9: {  	s7 =	sadd.s32 s4, s7;
	s8 =	simm.s32 $0x100;
	s6 =	sshrl.u32 s6, $0x3  }
0xa: {  	s9 =	simm.s32 $0x2800;
	s5 =	sadd.s32 s6, s5;
	s6 =	sadd.s32 $0x1A000, s7  }
0xb: {  	s7 =	simm.s32 $0x2;
	s4 =	sadd.s32 $0xF000, s5;
	s5 =	smax.u32 s31, $0x1  }
.LBB2_1:
0xc: {  	[tilespmem:s3], [sflag:$0x2] =	stream.linear.gather [hbm4b:s4+s3], $0x2800, $0x38;
	[tilespmem:$0x12800] =	vst v63  }
0xd: {  	_ =	swait.ge [sflag:s7], $0x2800  }
0xe: {  	[sflag:s7] =	ssyncset.done $0x0  }
0xf: {  	s13 =	simm.s32 $0x0;
	[sflag:s7] =	ssyncadd.s32 $0xFFFFD800  }
0x10: {  	[tilespmem:s9], [sflag:$0x1] =	stream.indirect.gather [hbm4b:s2+s8], $0x80, s13, s8, $0xb8;
	[tilespmem:$0x12800] =	vst v63  }
0x11: {  	s30 =	simm.s32 $0x100  }
0x12: {  	[tilespmem:s10], [sflag:$0x1] =	stream.indirect.gather [hbm4b:s2+s8], $0x80, s30, s8, $0xb8;
	[tilespmem:$0x12800] =	vst v63  }
0x13: {  	_ =	swait.ge [sflag:s11], $0x8000  }
0x14: {  	[sflag:s11] =	ssyncset.done $0x0  }
0x15: {  	[sflag:s11] =	ssyncadd.s32 $0xFFFF8000  }
0x16: {  	_ =	swait.ge [sflag:s11], $0x8000  }
0x17: {  	[sflag:s11] =	ssyncset.done $0x0  }
0x18: {  	s31 =	sadd.s32 $0xFFFFF000, s6;
	[sflag:s11] =	ssyncadd.s32 $0xFFFF8000  }
0x19: {  	[hbm4b:s31+s3] =	stream.linear.scatter [tilespmem:s9], [sflag:$0x2], $0x8000, $0x38;
	[tilespmem:$0x12800] =	vst v63  }
0x1a: {  	_ =	swait.ge [sflag:s7], $0x8000  }
0x1b: {  	[sflag:s7] =	ssyncset.done $0x0  }
0x1c: {  	[sflag:s7] =	ssyncadd.s32 $0xFFFF8000  }
0x1d: {  	[hbm4b:s6+s3] =	stream.linear.scatter [tilespmem:s10], [sflag:$0x2], $0x8000, $0x38;
	[tilespmem:$0x12800] =	vst v63  }
0x1e: {  	s14 =	simm.s32 $0x800;
	_ =	swait.ge [sflag:s7], $0x8000  }
0x1f: {  	s15 =	simm.s32 $0x1000;
	s13 =	sadd.s32 $0x2000, s6;
	[sflag:s7] =	ssyncset.done $0x0  }
.LBB2_2:
0x20: {  	s16 =	sshra.s32 s14, $0x2  }
0x21: {  	[sflag:s7] =	ssyncadd.s32 $0xFFFF8000;
	s14 =	smov.u32 s15;
	s17 =	sadd.s32 $0x800, s15  }
0x22: {  	[tilespmem:s9], [sflag:$0x1] =	stream.indirect.gather [hbm4b:s2+s8], $0x80, s16, s8, $0xb8;
	[tilespmem:$0x12800] =	vst v63  }
0x23: {  	p0 =	sne.s32 s15, $0x9800;
	s15 =	sadd.s32 $0x100, s16  }
0x24: {  	[tilespmem:s10], [sflag:$0x1] =	stream.indirect.gather [hbm4b:s2+s8], $0x80, s15, s8, $0xb8;
	[tilespmem:$0x12800] =	vst v63  }
0x25: {  	_ =	swait.ge [sflag:s11], $0x8000  }
0x26: {  	[sflag:s11] =	ssyncset.done $0x0  }
0x27: {  	[sflag:s11] =	ssyncadd.s32 $0xFFFF8000  }
0x28: {  	_ =	swait.ge [sflag:s11], $0x8000  }
0x29: {  	[sflag:s11] =	ssyncset.done $0x0  }
0x2a: {  	s15 =	sadd.s32 $0xFFFFF000, s13;
	[sflag:s11] =	ssyncadd.s32 $0xFFFF8000  }
0x2b: {  	[hbm4b:s15+s3] =	stream.linear.scatter [tilespmem:s9], [sflag:$0x2], $0x8000, $0x38;
	[tilespmem:$0x12800] =	vst v63  }
0x2c: {  	_ =	swait.ge [sflag:s7], $0x8000  }
.Ltmp0:
0x2d: {  	[sflag:s7] =	ssyncset.done $0x0;
	(pc) =	sbr.rel @p0 .LBB2_2-.Ltmp0, $4  }
0x2e: {  	[sflag:s7] =	ssyncadd.s32 $0xFFFF8000  }
0x2f: {  	[hbm4b:s13+s3] =	stream.linear.scatter [tilespmem:s10], [sflag:$0x2], $0x8000, $0x38;
	[tilespmem:$0x12800] =	vst v63  }
0x30: {  	_ =	swait.ge [sflag:s7], $0x8000  }
0x31: {  	s15 =	smov.u32 s17;
	s13 =	sadd.s32 $0x2000, s13;
	[sflag:s7] =	ssyncset.done $0x0  }
0x32: {  	s14 =	sshra.s32 s14, $0x2;
	[sflag:s7] =	ssyncadd.s32 $0xFFFF8000  }
0x33: {  	[tilespmem:s9], [sflag:$0x1] =	stream.indirect.gather [hbm4b:s2+s8], $0x80, s14, s8, $0xb8;
	[tilespmem:$0x12800] =	vst v63  }
0x34: {  	s14 =	sadd.s32 $0x100, s14  }
0x35: {  	[tilespmem:s10], [sflag:$0x1] =	stream.indirect.gather [hbm4b:s2+s8], $0x80, s14, s8, $0xb8;
	[tilespmem:$0x12800] =	vst v63  }
0x36: {  	_ =	swait.ge [sflag:s11], $0x8000  }
0x37: {  	[sflag:s11] =	ssyncset.done $0x0  }
0x38: {  	[sflag:s11] =	ssyncadd.s32 $0xFFFF8000  }
0x39: {  	_ =	swait.ge [sflag:s11], $0x8000  }
0x3a: {  	[sflag:s11] =	ssyncset.done $0x0  }
0x3b: {  	s31 =	sadd.s32 $0xFFFFF000, s13;
	[sflag:s11] =	ssyncadd.s32 $0xFFFF8000  }
0x3c: {  	[hbm4b:s31+s3] =	stream.linear.scatter [tilespmem:s9], [sflag:$0x2], $0x8000, $0x38;
	[tilespmem:$0x12800] =	vst v63  }
0x3d: {  	s12 =	sadd.s32 $0x1, s12;
	_ =	swait.ge [sflag:s7], $0x8000  }
0x3e: {  	p0 =	sne.s32 s12, s5;
	[sflag:s7] =	ssyncset.done $0x0  }
.Ltmp1:
0x3f: {  	[sflag:s7] =	ssyncadd.s32 $0xFFFF8000;
	(pc) =	sbr.rel @p0 .LBB2_1-.Ltmp1, $4  }
0x40: {  	[hbm4b:s13+s3] =	stream.linear.scatter [tilespmem:s10], [sflag:$0x2], $0x8000, $0x38;
	[tilespmem:$0x12800] =	vst v63  }
0x41: {  	_ =	swait.ge [sflag:s7], $0x8000  }
0x42: {  	[sflag:s7] =	ssyncset.done $0x0  }
0x43: {  	[sflag:s7] =	ssyncadd.s32 $0xFFFF8000  }
0x44: {  	_ =	sfence.sel $0x180000  }
0x45: {  	[bflag:$0x0] =	sbarrier.arrive $0xFFFF  }
0x46: {  	p0 =	sne.s32 s0, $0x0;
	_ =	strace $0x90000047  }
0x47: {  	s0 =	sadd.s32 @!p0 $0x100000, s1;
	[bflag:$0x2] =	sbarrier.arrive $0xFFFF  }
0x48: {  	[sflag:s0] =	ssyncadd.tile.s32 @!p0 $0x1;
	_ =	shalt  }
.Lfunc_end2:
_tile_overlayer_lowered:
.L_overlay_start_2:
0x49: {  	(tag) =	ssettag $0x2  }
0x4a: {  	s0 =	rddreg [dreg:$0x0];
	s2 =	stileid.u32  }
0x4b: {  	s1 =	rddreg [dreg:$0x1];
	p0 =	sne.s32 s2, $0x0  }
0x4c: {  	s3 =	rddreg [dreg:$0x2];
	[bflag:$0x3] =	sbarrier.arrive $0xFFFF;
	s2 =	simm.s32 @!p0 $0x1C02  }
0x4d: {  	[timem:s3], [sflag:s2] =	dma.local @!p0 [hbm:s0], s1  }
0x4e: {  	s0 =	simm.s32 @!p0 $0x2  }
0x4f: {  	_ =	swait.ge @!p0 [sflag:s0], s1  }
0x50: {  	s1 =	ssub.s32 @!p0 $0x0, s1;
	[sflag:s0] =	ssyncset.done @!p0 $0x0  }
0x51: {  	[sflag:s0] =	ssyncadd.s32 @!p0 s1  }
0x52: {  	[bflag:$0x3] =	sbarrier.arrive $0xFFFF  }
0x53: {  	_ =	shalt  }

// kernel: kernel.15.cloned.1.call-start
scs
__scs_entry_jumppad:
0x0: {  	(pc) =	sbr.rel $0x88, $3  }
0x1: {  	(tag) =	ssettag $0x0;
	lr =	simm.s32 $0x1  }
0x2: {  	[smem:$0x3F8D] =	sst lr;
	_ =	strace $0xD0000000  }
0x3: {  	_ = 	snop  }
0x4: {  	_ = 	snop  }
0x5: {  	_ = 	snop  }
0x6: {  	_ = 	snop  }
0x7: {  	_ = 	snop  }
__scs_overlays_trampoline_lowered:
0x8: {  	[smem:$0x3F9C] =	sst s0  }
0x9: {  	[smem:$0x3F9D] =	sst s1  }
0xa: {  	[smem:$0x3F9E] =	sst s2  }
0xb: {  	[smem:$0x3F9F] =	sst s3  }
0xc: {  	[smem:$0x3FA0] =	sst s4  }
0xd: {  	[smem:$0x3FA1] =	sst s5  }
0xe: {  	[smem:$0x3FA2] =	sst s6  }
0xf: {  	[smem:$0x3FA3] =	sst s7  }
0x10: {  	[smem:$0x3FA4] =	sst s8  }
0x11: {  	[smem:$0x3FA5] =	sst s9;
	s0 =	simm.s32 @!p0 $0x0  }
0x12: {  	s1 =	sld [smem:$0x3F8B];
	s0 =	simm.s32 @p0 $0x1  }
0x13: {  	[smem:$0x3FA6] =	sst s0;
	s0 =	simm.s32 @!p1 $0x0  }
0x14: {  	s2 =	sld [smem:$0x3F8A];
	s0 =	simm.s32 @p1 $0x1  }
0x15: {  	[smem:$0x3FA7] =	sst s0;
	s0 =	simm.s32 @!p2 $0x0  }
0x16: {  	s3 =	sld [smem:$0x3FDB];
	s0 =	simm.s32 @p2 $0x1  }
0x17: {  	s4 =	simm.s32 $0x1BF5;
	[smem:$0x3FA9] =	sst s0  }
0x18: {  	s0 =	sld [smem:$0x3F8C];
	_ =	swait.ge [sflag:s4], $0x0  }
0x19: {  	s7 =	sld [smem:$0x3F8D]  }
0x1a: {  	s8 =	sadd.s32 $0xFFFFE003, lr  }
0x1b: {  	s9 =	sadd.s32 $0xFFFFFEF7, lr;
	s5 =	simm.s32 $0xFFFFFFFF;
	p2 =	slt.u32 s8, $0xFFFFF086  }
0x1c: {  	p1 =	slt.u32 s9, $0xF7A;
	s5 =	simm.s32 @!p2 $0x0  }
0x1d: {  	s5 =	simm.s32 @p1 $0x1;
	p0 =	seq.s32 s7, s2  }
0x1e: {  	s7 =	smul.u32 @!p0 $0xF7A, s2;
	p2 =	seq.s32 @!p0 s5, $0x0  }
0x1f: {  	s9 =	smul.u32 $0xF7A, s1;
	s8 =	simm.s32 @!p0 $0x1BF5;
	p2 =	por !p2, p0  }
0x20: {  	[sflag:s8] =	ssyncset.s32 @!p0 $0xFFFFF086;
	s6 =	sadd.s32 @!p0 s3, s7;
	s7 =	simm.s32 @!p0 $0x108  }
0x21: {  	s3 =	sadd.s32 s3, s9;
	s6 =	sadd.s32 @!p0 $0x88, s6;
	s7 =	simm.s32 @p2 $0x1082  }
0x22: {  	[simem:s7], [sflag:s8] =	dma.local @!p0 [hbm:s6], $0xF7A  }
0x23: {  	s9 =	sor.u32 $0xD0000000, s2;
	s6 =	simm.s32 $0x108;
	_ =	swait.ge @!p0 [sflag:s8], $0x0  }
0x24: {  	s3 =	sadd.s32 $0x88, s3;
	s6 =	simm.s32 @!p1 $0x1082;
	[sflag:s4] =	ssyncset.s32 $0xFFFFF086  }
0x25: {  	[simem:s6], [sflag:s4] =	dma.local [hbm:s3], $0xF7A  }
0x26: {  	[smem:$0x3F8D] =	sst s1;
	(tag) =	ssettag s2;
	_ =	strace s9  }
0x27: {  	s1 =	sld [smem:$0x3F9D]  }
0x28: {  	s2 =	sld [smem:$0x3F9E]  }
0x29: {  	s4 =	sld [smem:$0x3FA0]  }
0x2a: {  	p0 =	seq.s32 s5, $0x0;
	s5 =	sld [smem:$0x3FA1]  }
0x2b: {  	s6 =	sld [smem:$0x3FA2]  }
0x2c: {  	s7 =	sld [smem:$0x3FA3]  }
0x2d: {  	s3 =	simm.s32 $0x108;
	s8 =	sld [smem:$0x3FA4]  }
0x2e: {  	s3 =	simm.s32 @!p0 $0x1082;
	s9 =	sld [smem:$0x3FA5]  }
0x2f: {  	lr =	sadd.s32 s0, s3;
	s0 =	sld [smem:$0x3F9C]  }
0x30: {  	s3 =	sld [smem:$0x3F9F]  }
0x31: {  	[smem:$0x3FA8] =	sst s10  }
0x32: {  	s10 =	sld [smem:$0x3FA6];
	_ =	sdelay $0x3  }
0x33: {  	p0 =	seq.s32 s10, $0x1;
	s10 =	sld [smem:$0x3FA8];
	_ =	sdelay $0x3  }
0x34: {  	[smem:$0x3FA8] =	sst s10  }
0x35: {  	s10 =	sld [smem:$0x3FA7];
	_ =	sdelay $0x3  }
0x36: {  	p1 =	seq.s32 s10, $0x1;
	s10 =	sld [smem:$0x3FA8];
	_ =	sdelay $0x3  }
0x37: {  	[smem:$0x3FA8] =	sst s10  }
0x38: {  	s10 =	sld [smem:$0x3FA9]  }
0x39: {  	_ = 	snop;
	(pc) =	sbr.ind lr, $3  }
0x3a: {  	_ = 	snop  }
0x3b: {  	_ = 	snop  }
0x3c: {  	p2 =	seq.s32 s10, $0x1;
	s10 =	sld [smem:$0x3FA8]  }
0x3d: {  	_ =	shalt  }
0x3e: {  	_ =	shalt  }
0x3f: {  	_ =	shalt  }
0x40: {  	_ =	shalt  }
0x41: {  	_ =	shalt  }
0x42: {  	_ =	shalt  }
0x43: {  	_ =	shalt  }
0x44: {  	_ =	shalt  }
0x45: {  	_ =	shalt  }
0x46: {  	_ =	shalt  }
0x47: {  	_ =	shalt  }
0x48: {  	_ =	shalt  }
0x49: {  	_ =	shalt  }
0x4a: {  	_ =	shalt  }
0x4b: {  	_ =	shalt  }
0x4c: {  	_ =	shalt  }
0x4d: {  	_ =	shalt  }
0x4e: {  	_ =	shalt  }
0x4f: {  	_ =	shalt  }
0x50: {  	_ =	shalt  }
0x51: {  	_ =	shalt  }
0x52: {  	_ =	shalt  }
0x53: {  	_ =	shalt  }
0x54: {  	_ =	shalt  }
0x55: {  	_ =	shalt  }
0x56: {  	_ =	shalt  }
0x57: {  	_ =	shalt  }
0x58: {  	_ =	shalt  }
0x59: {  	_ =	shalt  }
0x5a: {  	_ =	shalt  }
0x5b: {  	_ =	shalt  }
0x5c: {  	_ =	shalt  }
0x5d: {  	_ =	shalt  }
0x5e: {  	_ =	shalt  }
0x5f: {  	_ =	shalt  }
0x60: {  	_ =	shalt  }
0x61: {  	_ =	shalt  }
0x62: {  	_ =	shalt  }
0x63: {  	_ =	shalt  }
0x64: {  	_ =	shalt  }
0x65: {  	_ =	shalt  }
0x66: {  	_ =	shalt  }
0x67: {  	_ =	shalt  }
0x68: {  	_ =	shalt  }
0x69: {  	_ =	shalt  }
0x6a: {  	_ =	shalt  }
0x6b: {  	_ =	shalt  }
0x6c: {  	_ =	shalt  }
0x6d: {  	_ =	shalt  }
0x6e: {  	_ =	shalt  }
0x6f: {  	_ =	shalt  }
0x70: {  	_ =	shalt  }
0x71: {  	_ =	shalt  }
0x72: {  	_ =	shalt  }
0x73: {  	_ =	shalt  }
0x74: {  	_ =	shalt  }
0x75: {  	_ =	shalt  }
0x76: {  	_ =	shalt  }
0x77: {  	_ =	shalt  }
0x78: {  	_ =	shalt  }
0x79: {  	_ =	shalt  }
0x7a: {  	_ =	shalt  }
0x7b: {  	_ =	shalt  }
0x7c: {  	_ =	shalt  }
0x7d: {  	_ =	shalt  }
0x7e: {  	_ =	shalt  }
0x7f: {  	_ =	shalt  }
0x80: {  	_ =	shalt  }
0x81: {  	_ =	shalt  }
0x82: {  	_ =	shalt  }
0x83: {  	_ =	shalt  }
0x84: {  	_ =	shalt  }
0x85: {  	_ =	shalt  }
0x86: {  	_ =	shalt  }
0x87: {  	_ =	shalt  }
.Lfunc_end0:
.L_simem_size_0:
called_computation.1_lowered:
.L_overlay_start_0:
0x88: {  	s2 =	sld [smem:$0x3FD9]  }
0x89: {  	s3 =	sld [smem:$0x3FFE];
	_ =	sdelay $0x1  }
0x8a: {  	s1 =	srdreg.scid  }
0x8b: {  	s0 =	sand.u32 $0x1, s1  }
0x8c: {  	s16 =	sshll.u32 s0, $0xA;
	s2 =	sadd.s32 s3, s2  }
0x8d: {  	s2 =	sadd.s32 s2, s16  }
0x8e: {  	[smem:$0x3FB4] =	sst s2  }
0x8f: {  	_ = 	snop  }
0x90: {  	(tm) =	ssettm $0x1  }
0x91: {  	s17 =	sld [smem:$0x3FFB];
	_ =	sdelay $0x3  }
0x92: {  	_ =	strace s17  }
0x93: {  	s2 =	sld [smem:$0x3FFC];
	_ =	sdelay $0x3  }
0x94: {  	_ =	strace s2  }
0x95: {  	s2 =	sld [smem:$0x3FFD];
	_ =	sdelay $0x3  }
0x96: {  	_ =	strace s2  }
0x97: {  	_ =	strace $0x8FFFFFFF  }
0x98: {  	s18 =	sld [smem:$0x3FDB];
	_ =	sdelay $0x1  }
0x99: {  	s19 =	simm.s32 $_scs_section_size  }
0x9a: {  	s4 =	simm.s32 $_size__tile_overlayer_lowered;
	s5 =	simm.s32 $_tile_overlayer_lowered  }
0x9b: {  	s22 =	simm.s32 $0x1BFF;
	s21 =	sshll.u32 s5, $0x1;
	s2 =	sadd.s32 s19, s18  }
0x9c: {  	s6 =	simm.s32 $0x0;
	s20 =	sshll.u32 s4, $0x1;
	s4 =	sadd.s32 s21, s2  }
0x9d: {  	[timem:s6], [sflag:s22] =	dma.local [hbm:s4], s20  }
0x9e: {  	_ =	swait.ge [sflag:s22], s20  }
0x9f: {  	s3 =	ssub.s32 $0x0, s20;
	[sflag:s22] =	ssyncset.done $0x0  }
0xa0: {  	[sflag:s22] =	ssyncadd.s32 s3;
	_ =	sdelay $0x1  }
0xa1: {  	s23 =	simm.s32 $0x1B8B  }
0xa2: {  	_ =	swait.ge [sflag:s23], $0x1  }
0xa3: {  	[sflag:s23] =	ssyncset.done $0x0  }
0xa4: {  	s25 =	simm.s32 $0x1B8E;
	s24 =	sld [smem:$0x3FFE];
	[sflag:s23] =	ssyncadd.s32 $0xFFFFFFFF  }
0xa5: {  	s26 =	simm.s32 $execute0_lowered;
	[smem:$0x3FD2] =	sst s25  }
0xa6: {  	s4 =	sshll.u32 s26, $0x1;
	_ =	strace $0x80000049;
	[dreg:$0x1] =	wrdreg $0xFFFFFFFF  }
0xa7: {  	s28 =	simm.s32 $_size_execute0_lowered;
	s2 =	sadd.s32 s2, s4;
	[dreg:$0x0] =	wrdreg $0x0  }
0xa8: {  	s4 =	sshll.u32 s28, $0x1;
	[dreg:$0x2] =	wrdreg s2  }
0xa9: {  	[dreg:$0x3] =	wrdreg s4  }
0xaa: {  	[dreg:$0x4] =	wrdreg $0xC0  }
0xab: {  	_ =	task [dreg:s6], $0x5FFFF  }
0xac: {  	[dreg:$0x1] =	wrdreg $0xFFFFFFFF  }
0xad: {  	[dreg:$0x0] =	wrdreg $0x60  }
0xae: {  	[dreg:$0x2] =	wrdreg s24  }
0xaf: {  	[dreg:$0x3] =	wrdreg $0xA8000  }
0xb0: {  	[dreg:$0x4] =	wrdreg $0x9  }
0xb1: {  	_ =	task.clear_ibuf [dreg:s6], $0x5FFFF;
	_ =	strace $0x90000049  }
0xb2: {  	s29 =	simm.s32 $0x9;
	_ =	strace $0x8000004B  }
0xb3: {  	_ =	swait.ge [sflag:s29], $0x1  }
0xb4: {  	[sflag:s29] =	ssyncadd.s32 $0xFFFFFFFF  }
0xb5: {  	_ =	strace $0x9000004B  }
0xb6: {  	_ =	sfence  }
0xb7: {  	s30 =	sld [smem:$0x0];
	_ =	sdelay $0x2  }
0xb8: {  	s31 =	sshll.u32 s1, $0xD;
	s1 =	sshrl.u32 s1, $0x2  }
0xb9: {  	s3 =	sand.u32 $0x4000, s31;
	s1 =	sadd.s32 s1, s30  }
0xba: {  	s0 =	sor.u32 s3, s0;
	s1 =	sshll.u32 s1, $0x11  }
0xbb: {  	s0 =	sor.u32 s1, s0  }
0xbc: {  	s0 =	sadd.s32 $0x8F2B, s0  }
0xbd: {  	[sflag:s0] =	ssyncadd.remote.s32 $0x1  }
0xbe: {  	_ =	sfence.sel $0xFFFF  }
0xbf: {  	[dreg:$0x0] =	wrdreg $0xFFFFFFFF;
	(pc) =	sbr.abs _section_cstart, $3  }
0xc0: {  	[dreg:$0x1] =	wrdreg $0xFFFFFFFF  }
0xc1: {  	_ =	task.clear_ibuf [dreg:s6], $0x2FFFF;
	_ =	strace $0x9FFFFFFF  }
0xc2: {  	(tm) =	ssettm $0x7FFFFFFF  }
0xc3: {  	_ =	shalt  }
tec
execute0_lowered:
.L_overlay_start_1:
0x0: {  	(tag) =	ssettag $0x1  }
0x1: {  	s0 =	stileid.u32  }
0x2: {  	s1 =	srdreg.scid;
	s6 =	rddreg [dreg:$0x0]  }
0x3: {  	s2 =	rddreg [dreg:$0x1];
	s3 =	simm.s32 $0x0;
	s14 =	simm.s32 $0x6800  }
0x4: {  	s15 =	simm.s32 $0x1;
	s16 =	simm.s32 $0x0;
	s4 =	smul.u32 $0x50000, s0  }
0x5: {  	s5 =	sand.u32 $0x1, s1;
	s28 =	sshll.u32 s0, $0x1;
	s9 =	smul.u32 $0x13C00, s0  }
0x6: {  	[smem:$0x7FF] =	sst s3;
	s11 =	smul.u32 $0x4F000, s0;
	s12 =	sshll.u32 s0, $0x6  }
0x7: {  	s1 =	sor.u32 s5, s28;
	s8 =	smul.u32 $0x13C000, s5;
	s30 =	ssub.s32 $0x2, s5  }
0x8: {  	s13 =	smul.u32 $0x28000, s5;
	s5 =	sor.u32 $0x1C02, s12;
	s12 =	simm.s32 $0x2800  }
0x9: {  	s7 =	smul.u32 $0x500, s1;
	s1 =	rddreg [dreg:$0x2];
	_ =	strace $0x8000004A  }
0xa: {  	s10 =	sadd.s32 s4, s6;
	s4 =	sadd.s32 $0x5200, s6;
	s31 =	sshrl.u32 s30, $0x1  }
0xb: {  	s11 =	sshrl.u32 s11, $0x2;
	s29 =	sadd.s32 s9, s8;
	s9 =	ssub.s32 s30, s31  }
0xc: {  	s11 =	sadd.s32 s11, s2;
	s10 =	sadd.s32 s13, s10;
	s8 =	sshrl.u32 s29, $0x3  }
0xd: {  	s13 =	simm.s32 $0x80;
	s7 =	sadd.s32 s7, s6;
	s8 =	sadd.s32 s8, s6  }
0xe: {  	s6 =	sadd.s32 $0x519000, s7;
	s7 =	sadd.s32 $0x523000, s8;
	s8 =	smax.u32 s9, $0x1  }
0xf: {  	s9 =	sadd.s32 $0x19000, s10;
	s10 =	sshrl.u32 s11, $0x3;
	s11 =	simm.s32 $0x2  }
.LBB2_1:
0x10: {  	[spmem:s10], [sflag:s5] =	dma.local [hbm:s4], $0x2780  }
0x11: {  	_ =	swait.ge [sflag:s11], $0x2780  }
0x12: {  	[sflag:s11] =	ssyncset.done $0x0  }
0x13: {  	[sflag:s11] =	ssyncadd.s32 $0xFFFFD880  }
0x14: {  	[tilespmem:s3], [sflag:$0x2] =	stream.linear.gather [hbm4b:s6+s3], $0x2800, $0x38;
	[tilespmem:$0x1E400] =	vst v63  }
0x15: {  	_ =	swait.ge [sflag:s11], $0x2800  }
0x16: {  	[sflag:s11] =	ssyncset.done $0x0  }
0x17: {  	[sflag:s11] =	ssyncadd.s32 $0xFFFFD800  }
0x18: {  	s17 =	sadd.s32 $0x0, s9;
	[bflag:$0x0] =	sbarrier.arrive $0xFFFF  }
0x19: {  	[tilespmem:s12], [sflag:$0x2] =	stream.linear.gather [hbm4b:s17+s3], $0x8000, $0x38;
	[tilespmem:$0x1E400] =	vst v63  }
0x1a: {  	_ =	swait.ge [sflag:s11], $0x8000  }
0x1b: {  	[sflag:s11] =	ssyncset.done $0x0  }
0x1c: {  	s31 =	simm.s32 $0x0;
	[sflag:s11] =	ssyncadd.s32 $0xFFFF8000  }
0x1d: {  	[spmem:s2] =	stream.indirect.scatter.add.f32 [tilespmem:s12], [sflag:$0x1], $0x80, s31, s13, $0xb8;
	[tilespmem:$0x1E400] =	vst v63  }
0x1e: {  	_ = 	snop  }
0x1f: {  	[spmem:s2] =	stream.indirect.scatter.add.f32 [tilespmem:s14], [sflag:$0x1], $0x80, s13, s13, $0xb8;
	[tilespmem:$0x1E400] =	vst v63  }
0x20: {  	_ =	swait.ge [sflag:s15], $0x4000  }
0x21: {  	[sflag:s15] =	ssyncset.done $0x0  }
0x22: {  	[sflag:s15] =	ssyncadd.s32 $0xFFFFC000  }
0x23: {  	s18 =	simm.s32 $0x1000;
	_ =	swait.ge [sflag:s15], $0x4000  }
0x24: {  	s19 =	simm.s32 $0x2000;
	s17 =	simm.s32 $0x180;
	[sflag:s15] =	ssyncset.done $0x0  }
.LBB2_2:
0x25: {  	s20 =	sadd.s32 s18, s9  }
0x26: {  	[sflag:s15] =	ssyncadd.s32 $0xFFFFC000;
	s18 =	smov.u32 s19;
	s21 =	sadd.s32 $0x1000, s19  }
0x27: {  	[tilespmem:s12], [sflag:$0x2] =	stream.linear.gather [hbm4b:s20+s3], $0x8000, $0x38;
	[tilespmem:$0x1E400] =	vst v63  }
0x28: {  	p0 =	sne.s32 s19, $0x27000;
	_ =	swait.ge [sflag:s11], $0x8000  }
0x29: {  	[sflag:s11] =	ssyncset.done $0x0  }
0x2a: {  	s19 =	sadd.s32 $0xFFFFFF80, s17;
	[sflag:s11] =	ssyncadd.s32 $0xFFFF8000  }
0x2b: {  	[spmem:s2] =	stream.indirect.scatter.add.f32 [tilespmem:s12], [sflag:$0x1], $0x80, s19, s13, $0xb8;
	[tilespmem:$0x1E400] =	vst v63  }
0x2c: {  	_ = 	snop  }
0x2d: {  	[spmem:s2] =	stream.indirect.scatter.add.f32 [tilespmem:s14], [sflag:$0x1], $0x80, s17, s13, $0xb8;
	[tilespmem:$0x1E400] =	vst v63  }
.Ltmp0:
0x2e: {  	_ =	swait.ge [sflag:s15], $0x4000;
	(pc) =	sbr.rel @p0 .LBB2_2-.Ltmp0, $4  }
0x2f: {  	[sflag:s15] =	ssyncset.done $0x0  }
0x30: {  	[sflag:s15] =	ssyncadd.s32 $0xFFFFC000  }
0x31: {  	_ =	swait.ge [sflag:s15], $0x4000  }
0x32: {  	s19 =	smov.u32 s21;
	s17 =	sadd.s32 $0x100, s17;
	[sflag:s15] =	ssyncset.done $0x0  }
0x33: {  	s18 =	sadd.s32 s18, s9;
	[sflag:s15] =	ssyncadd.s32 $0xFFFFC000  }
0x34: {  	[tilespmem:s12], [sflag:$0x2] =	stream.linear.gather [hbm4b:s18+s3], $0x8000, $0x38;
	[tilespmem:$0x1E400] =	vst v63  }
0x35: {  	_ =	swait.ge [sflag:s11], $0x8000  }
0x36: {  	[sflag:s11] =	ssyncset.done $0x0  }
0x37: {  	s31 =	sadd.s32 $0xFFFFFF80, s17;
	[sflag:s11] =	ssyncadd.s32 $0xFFFF8000  }
0x38: {  	[spmem:s2] =	stream.indirect.scatter.add.f32 [tilespmem:s12], [sflag:$0x1], $0x80, s31, s13, $0xb8;
	[tilespmem:$0x1E400] =	vst v63  }
0x39: {  	_ = 	snop  }
0x3a: {  	[spmem:s2] =	stream.indirect.scatter.add.f32 [tilespmem:s14], [sflag:$0x1], $0x80, s17, s13, $0xb8;
	[tilespmem:$0x1E400] =	vst v63  }
0x3b: {  	_ =	swait.ge [sflag:s15], $0x4000  }
0x3c: {  	[sflag:s15] =	ssyncset.done $0x0  }
0x3d: {  	[sflag:s15] =	ssyncadd.s32 $0xFFFFC000  }
0x3e: {  	_ =	swait.ge [sflag:s15], $0x4000  }
0x3f: {  	s16 =	sadd.s32 $0x1, s16;
	[sflag:s15] =	ssyncset.done $0x0  }
0x40: {  	p0 =	sne.s32 s16, s8;
	[sflag:s15] =	ssyncadd.s32 $0xFFFFC000  }
.Ltmp1:
0x41: {  	[bflag:$0x0] =	sbarrier.arrive $0xFFFF;
	(pc) =	sbr.rel @p0 .LBB2_1-.Ltmp1, $4  }
0x42: {  	[hbm:s7], [sflag:s5] =	dma.local [spmem:s10], $0x2780  }
0x43: {  	_ =	swait.ge [sflag:s11], $0x2780  }
0x44: {  	[sflag:s11] =	ssyncset.done $0x0  }
0x45: {  	[sflag:s11] =	ssyncadd.s32 $0xFFFFD880  }
0x46: {  	_ =	sfence.sel $0x180000  }
0x47: {  	[bflag:$0x0] =	sbarrier.arrive $0xFFFF  }
0x48: {  	p0 =	sne.s32 s0, $0x0;
	_ =	strace $0x9000004A  }
0x49: {  	s0 =	sadd.s32 @!p0 $0x100000, s1;
	[bflag:$0x2] =	sbarrier.arrive $0xFFFF  }
0x4a: {  	[sflag:s0] =	ssyncadd.tile.s32 @!p0 $0x1;
	_ =	shalt  }
.Lfunc_end2:
_tile_overlayer_lowered:
.L_overlay_start_2:
0x4b: {  	(tag) =	ssettag $0x2  }
0x4c: {  	s0 =	rddreg [dreg:$0x0];
	s2 =	stileid.u32  }
0x4d: {  	s1 =	rddreg [dreg:$0x1];
	p0 =	sne.s32 s2, $0x0  }
0x4e: {  	s3 =	rddreg [dreg:$0x2];
	[bflag:$0x3] =	sbarrier.arrive $0xFFFF;
	s2 =	simm.s32 @!p0 $0x1C02  }
0x4f: {  	[timem:s3], [sflag:s2] =	dma.local @!p0 [hbm:s0], s1  }
0x50: {  	s0 =	simm.s32 @!p0 $0x2  }
0x51: {  	_ =	swait.ge @!p0 [sflag:s0], s1  }
0x52: {  	s1 =	ssub.s32 @!p0 $0x0, s1;
	[sflag:s0] =	ssyncset.done @!p0 $0x0  }
0x53: {  	[sflag:s0] =	ssyncadd.s32 @!p0 s1  }
0x54: {  	[bflag:$0x3] =	sbarrier.arrive $0xFFFF  }
0x55: {  	_ =	shalt  }

// kernel: kernel.18.cloned.1.call-start
scs
__scs_entry_jumppad:
0x0: {  	(pc) =	sbr.rel $0x88, $3  }
0x1: {  	(tag) =	ssettag $0x0;
	lr =	simm.s32 $0x1  }
0x2: {  	[smem:$0x3F8D] =	sst lr;
	_ =	strace $0xD0000000  }
0x3: {  	_ = 	snop  }
0x4: {  	_ = 	snop  }
0x5: {  	_ = 	snop  }
0x6: {  	_ = 	snop  }
0x7: {  	_ = 	snop  }
__scs_overlays_trampoline_lowered:
0x8: {  	[smem:$0x3F9C] =	sst s0  }
0x9: {  	[smem:$0x3F9D] =	sst s1  }
0xa: {  	[smem:$0x3F9E] =	sst s2  }
0xb: {  	[smem:$0x3F9F] =	sst s3  }
0xc: {  	[smem:$0x3FA0] =	sst s4  }
0xd: {  	[smem:$0x3FA1] =	sst s5  }
0xe: {  	[smem:$0x3FA2] =	sst s6  }
0xf: {  	[smem:$0x3FA3] =	sst s7  }
0x10: {  	[smem:$0x3FA4] =	sst s8  }
0x11: {  	[smem:$0x3FA5] =	sst s9;
	s0 =	simm.s32 @!p0 $0x0  }
0x12: {  	s1 =	sld [smem:$0x3F8B];
	s0 =	simm.s32 @p0 $0x1  }
0x13: {  	[smem:$0x3FA6] =	sst s0;
	s0 =	simm.s32 @!p1 $0x0  }
0x14: {  	s2 =	sld [smem:$0x3F8A];
	s0 =	simm.s32 @p1 $0x1  }
0x15: {  	[smem:$0x3FA7] =	sst s0;
	s0 =	simm.s32 @!p2 $0x0  }
0x16: {  	s3 =	sld [smem:$0x3FDB];
	s0 =	simm.s32 @p2 $0x1  }
0x17: {  	s4 =	simm.s32 $0x1BF5;
	[smem:$0x3FA9] =	sst s0  }
0x18: {  	s0 =	sld [smem:$0x3F8C];
	_ =	swait.ge [sflag:s4], $0x0  }
0x19: {  	s7 =	sld [smem:$0x3F8D]  }
0x1a: {  	s8 =	sadd.s32 $0xFFFFE003, lr  }
0x1b: {  	s9 =	sadd.s32 $0xFFFFFEF7, lr;
	s5 =	simm.s32 $0xFFFFFFFF;
	p2 =	slt.u32 s8, $0xFFFFF086  }
0x1c: {  	p1 =	slt.u32 s9, $0xF7A;
	s5 =	simm.s32 @!p2 $0x0  }
0x1d: {  	s5 =	simm.s32 @p1 $0x1;
	p0 =	seq.s32 s7, s2  }
0x1e: {  	s7 =	smul.u32 @!p0 $0xF7A, s2;
	p2 =	seq.s32 @!p0 s5, $0x0  }
0x1f: {  	s9 =	smul.u32 $0xF7A, s1;
	s8 =	simm.s32 @!p0 $0x1BF5;
	p2 =	por !p2, p0  }
0x20: {  	[sflag:s8] =	ssyncset.s32 @!p0 $0xFFFFF086;
	s6 =	sadd.s32 @!p0 s3, s7;
	s7 =	simm.s32 @!p0 $0x108  }
0x21: {  	s3 =	sadd.s32 s3, s9;
	s6 =	sadd.s32 @!p0 $0x88, s6;
	s7 =	simm.s32 @p2 $0x1082  }
0x22: {  	[simem:s7], [sflag:s8] =	dma.local @!p0 [hbm:s6], $0xF7A  }
0x23: {  	s9 =	sor.u32 $0xD0000000, s2;
	s6 =	simm.s32 $0x108;
	_ =	swait.ge @!p0 [sflag:s8], $0x0  }
0x24: {  	s3 =	sadd.s32 $0x88, s3;
	s6 =	simm.s32 @!p1 $0x1082;
	[sflag:s4] =	ssyncset.s32 $0xFFFFF086  }
0x25: {  	[simem:s6], [sflag:s4] =	dma.local [hbm:s3], $0xF7A  }
0x26: {  	[smem:$0x3F8D] =	sst s1;
	(tag) =	ssettag s2;
	_ =	strace s9  }
0x27: {  	s1 =	sld [smem:$0x3F9D]  }
0x28: {  	s2 =	sld [smem:$0x3F9E]  }
0x29: {  	s4 =	sld [smem:$0x3FA0]  }
0x2a: {  	p0 =	seq.s32 s5, $0x0;
	s5 =	sld [smem:$0x3FA1]  }
0x2b: {  	s6 =	sld [smem:$0x3FA2]  }
0x2c: {  	s7 =	sld [smem:$0x3FA3]  }
0x2d: {  	s3 =	simm.s32 $0x108;
	s8 =	sld [smem:$0x3FA4]  }
0x2e: {  	s3 =	simm.s32 @!p0 $0x1082;
	s9 =	sld [smem:$0x3FA5]  }
0x2f: {  	lr =	sadd.s32 s0, s3;
	s0 =	sld [smem:$0x3F9C]  }
0x30: {  	s3 =	sld [smem:$0x3F9F]  }
0x31: {  	[smem:$0x3FA8] =	sst s10  }
0x32: {  	s10 =	sld [smem:$0x3FA6];
	_ =	sdelay $0x3  }
0x33: {  	p0 =	seq.s32 s10, $0x1;
	s10 =	sld [smem:$0x3FA8];
	_ =	sdelay $0x3  }
0x34: {  	[smem:$0x3FA8] =	sst s10  }
0x35: {  	s10 =	sld [smem:$0x3FA7];
	_ =	sdelay $0x3  }
0x36: {  	p1 =	seq.s32 s10, $0x1;
	s10 =	sld [smem:$0x3FA8];
	_ =	sdelay $0x3  }
0x37: {  	[smem:$0x3FA8] =	sst s10  }
0x38: {  	s10 =	sld [smem:$0x3FA9]  }
0x39: {  	_ = 	snop;
	(pc) =	sbr.ind lr, $3  }
0x3a: {  	_ = 	snop  }
0x3b: {  	_ = 	snop  }
0x3c: {  	p2 =	seq.s32 s10, $0x1;
	s10 =	sld [smem:$0x3FA8]  }
0x3d: {  	_ =	shalt  }
0x3e: {  	_ =	shalt  }
0x3f: {  	_ =	shalt  }
0x40: {  	_ =	shalt  }
0x41: {  	_ =	shalt  }
0x42: {  	_ =	shalt  }
0x43: {  	_ =	shalt  }
0x44: {  	_ =	shalt  }
0x45: {  	_ =	shalt  }
0x46: {  	_ =	shalt  }
0x47: {  	_ =	shalt  }
0x48: {  	_ =	shalt  }
0x49: {  	_ =	shalt  }
0x4a: {  	_ =	shalt  }
0x4b: {  	_ =	shalt  }
0x4c: {  	_ =	shalt  }
0x4d: {  	_ =	shalt  }
0x4e: {  	_ =	shalt  }
0x4f: {  	_ =	shalt  }
0x50: {  	_ =	shalt  }
0x51: {  	_ =	shalt  }
0x52: {  	_ =	shalt  }
0x53: {  	_ =	shalt  }
0x54: {  	_ =	shalt  }
0x55: {  	_ =	shalt  }
0x56: {  	_ =	shalt  }
0x57: {  	_ =	shalt  }
0x58: {  	_ =	shalt  }
0x59: {  	_ =	shalt  }
0x5a: {  	_ =	shalt  }
0x5b: {  	_ =	shalt  }
0x5c: {  	_ =	shalt  }
0x5d: {  	_ =	shalt  }
0x5e: {  	_ =	shalt  }
0x5f: {  	_ =	shalt  }
0x60: {  	_ =	shalt  }
0x61: {  	_ =	shalt  }
0x62: {  	_ =	shalt  }
0x63: {  	_ =	shalt  }
0x64: {  	_ =	shalt  }
0x65: {  	_ =	shalt  }
0x66: {  	_ =	shalt  }
0x67: {  	_ =	shalt  }
0x68: {  	_ =	shalt  }
0x69: {  	_ =	shalt  }
0x6a: {  	_ =	shalt  }
0x6b: {  	_ =	shalt  }
0x6c: {  	_ =	shalt  }
0x6d: {  	_ =	shalt  }
0x6e: {  	_ =	shalt  }
0x6f: {  	_ =	shalt  }
0x70: {  	_ =	shalt  }
0x71: {  	_ =	shalt  }
0x72: {  	_ =	shalt  }
0x73: {  	_ =	shalt  }
0x74: {  	_ =	shalt  }
0x75: {  	_ =	shalt  }
0x76: {  	_ =	shalt  }
0x77: {  	_ =	shalt  }
0x78: {  	_ =	shalt  }
0x79: {  	_ =	shalt  }
0x7a: {  	_ =	shalt  }
0x7b: {  	_ =	shalt  }
0x7c: {  	_ =	shalt  }
0x7d: {  	_ =	shalt  }
0x7e: {  	_ =	shalt  }
0x7f: {  	_ =	shalt  }
0x80: {  	_ =	shalt  }
0x81: {  	_ =	shalt  }
0x82: {  	_ =	shalt  }
0x83: {  	_ =	shalt  }
0x84: {  	_ =	shalt  }
0x85: {  	_ =	shalt  }
0x86: {  	_ =	shalt  }
0x87: {  	_ =	shalt  }
.Lfunc_end0:
.L_simem_size_0:
called_computation.2_lowered:
.L_overlay_start_0:
0x88: {  	s2 =	sld [smem:$0x3FD9]  }
0x89: {  	s3 =	sld [smem:$0x3FFE];
	_ =	sdelay $0x1  }
0x8a: {  	s1 =	srdreg.scid  }
0x8b: {  	s0 =	sand.u32 $0x1, s1  }
0x8c: {  	s16 =	sshll.u32 s0, $0xA;
	s2 =	sadd.s32 s3, s2  }
0x8d: {  	s2 =	sadd.s32 s2, s16  }
0x8e: {  	[smem:$0x3FB4] =	sst s2  }
0x8f: {  	_ = 	snop  }
0x90: {  	(tm) =	ssettm $0x1  }
0x91: {  	s17 =	sld [smem:$0x3FFB];
	_ =	sdelay $0x3  }
0x92: {  	_ =	strace s17  }
0x93: {  	s2 =	sld [smem:$0x3FFC];
	_ =	sdelay $0x3  }
0x94: {  	_ =	strace s2  }
0x95: {  	s2 =	sld [smem:$0x3FFD];
	_ =	sdelay $0x3  }
0x96: {  	_ =	strace s2  }
0x97: {  	_ =	strace $0x8FFFFFFF  }
0x98: {  	s18 =	sld [smem:$0x3FDB];
	_ =	sdelay $0x1  }
0x99: {  	s19 =	simm.s32 $_scs_section_size  }
0x9a: {  	s4 =	simm.s32 $_size__tile_overlayer_lowered;
	s5 =	simm.s32 $_tile_overlayer_lowered  }
0x9b: {  	s22 =	simm.s32 $0x1BFF;
	s21 =	sshll.u32 s5, $0x1;
	s2 =	sadd.s32 s19, s18  }
0x9c: {  	s6 =	simm.s32 $0x0;
	s20 =	sshll.u32 s4, $0x1;
	s4 =	sadd.s32 s21, s2  }
0x9d: {  	[timem:s6], [sflag:s22] =	dma.local [hbm:s4], s20  }
0x9e: {  	_ =	swait.ge [sflag:s22], s20  }
0x9f: {  	s3 =	ssub.s32 $0x0, s20;
	[sflag:s22] =	ssyncset.done $0x0  }
0xa0: {  	[sflag:s22] =	ssyncadd.s32 s3;
	_ =	sdelay $0x1  }
0xa1: {  	s23 =	simm.s32 $0x1B8B  }
0xa2: {  	_ =	swait.ge [sflag:s23], $0x1  }
0xa3: {  	[sflag:s23] =	ssyncset.done $0x0  }
0xa4: {  	s25 =	simm.s32 $0x1B8E;
	s24 =	sld [smem:$0x3FFE];
	[sflag:s23] =	ssyncadd.s32 $0xFFFFFFFF  }
0xa5: {  	s26 =	simm.s32 $execute0_lowered;
	[smem:$0x3FD2] =	sst s25  }
0xa6: {  	s4 =	sshll.u32 s26, $0x1;
	_ =	strace $0x8000004C;
	[dreg:$0x1] =	wrdreg $0xFFFFFFFF  }
0xa7: {  	s28 =	simm.s32 $_size_execute0_lowered;
	s2 =	sadd.s32 s2, s4;
	[dreg:$0x0] =	wrdreg $0x0  }
0xa8: {  	s4 =	sshll.u32 s28, $0x1;
	[dreg:$0x2] =	wrdreg s2  }
0xa9: {  	[dreg:$0x3] =	wrdreg s4  }
0xaa: {  	[dreg:$0x4] =	wrdreg $0xC0  }
0xab: {  	_ =	task [dreg:s6], $0x5FFFF  }
0xac: {  	[dreg:$0x1] =	wrdreg $0xFFFFFFFF  }
0xad: {  	[dreg:$0x0] =	wrdreg $0x60  }
0xae: {  	[dreg:$0x2] =	wrdreg s24  }
0xaf: {  	[dreg:$0x3] =	wrdreg $0x9  }
0xb0: {  	_ =	task.clear_ibuf [dreg:s6], $0x4FFFF;
	_ =	strace $0x9000004C  }
0xb1: {  	s29 =	simm.s32 $0x9;
	_ =	strace $0x8000004E  }
0xb2: {  	_ =	swait.ge [sflag:s29], $0x1  }
0xb3: {  	[sflag:s29] =	ssyncadd.s32 $0xFFFFFFFF  }
0xb4: {  	_ =	strace $0x9000004E  }
0xb5: {  	_ =	sfence  }
0xb6: {  	s30 =	sld [smem:$0x0];
	_ =	sdelay $0x2  }
0xb7: {  	s31 =	sshll.u32 s1, $0xD;
	s1 =	sshrl.u32 s1, $0x2  }
0xb8: {  	s3 =	sand.u32 $0x4000, s31;
	s1 =	sadd.s32 s1, s30  }
0xb9: {  	s0 =	sor.u32 s3, s0;
	s1 =	sshll.u32 s1, $0x11  }
0xba: {  	s0 =	sor.u32 s1, s0  }
0xbb: {  	s0 =	sadd.s32 $0x8F2B, s0  }
0xbc: {  	[sflag:s0] =	ssyncadd.remote.s32 $0x1  }
0xbd: {  	_ =	sfence.sel $0xFFFF  }
0xbe: {  	[dreg:$0x0] =	wrdreg $0xFFFFFFFF;
	(pc) =	sbr.abs _section_cstart, $3  }
0xbf: {  	[dreg:$0x1] =	wrdreg $0xFFFFFFFF  }
0xc0: {  	_ =	task.clear_ibuf [dreg:s6], $0x2FFFF;
	_ =	strace $0x9FFFFFFF  }
0xc1: {  	(tm) =	ssettm $0x7FFFFFFF  }
tec
execute0_lowered:
.L_overlay_start_1:
0x0: {  	(tag) =	ssettag $0x1  }
0x1: {  	s1 =	srdreg.scid  }
0x2: {  	s0 =	stileid.u32;
	s4 =	rddreg [dreg:$0x0]  }
0x3: {  	s2 =	simm.s32 $0x0;
	s10 =	simm.s32 $0xA800;
	s11 =	simm.s32 $0x1  }
0x4: {  	s12 =	simm.s32 $0x0;
	s5 =	sand.u32 $0x1, s1;
	s1 =	rddreg [dreg:$0x1]  }
0x5: {  	s3 =	sshll.u32 s0, $0x1;
	[smem:$0x7FF] =	sst s2;
	s7 =	smul.u32 $0x50000, s0  }
0x6: {  	s3 =	sor.u32 s5, s3;
	s8 =	ssub.s32 $0x2, s5;
	s5 =	smul.u32 $0x28000, s5  }
0x7: {  	_ =	strace $0x8000004D;
	s6 =	smul.u32 $0x2800, s3;
	s9 =	sshrl.u32 s8, $0x1  }
0x8: {  	s3 =	sadd.s32 $0x19000, s4;
	s7 =	sadd.s32 s7, s4;
	s31 =	ssub.s32 s8, s9  }
0x9: {  	s7 =	sadd.s32 s5, s7;
	s8 =	simm.s32 $0x100;
	s6 =	sshrl.u32 s6, $0x3  }
0xa: {  	s9 =	simm.s32 $0x2800;
	s5 =	smax.u32 s31, $0x1;
	s4 =	sadd.s32 s6, s4  }
0xb: {  	s6 =	sadd.s32 $0x524000, s7;
	s7 =	simm.s32 $0x2;
	s4 =	sadd.s32 $0xF000, s4  }
.LBB2_1:
0xc: {  	[tilespmem:s2], [sflag:$0x2] =	stream.linear.gather [hbm4b:s4+s2], $0x2800, $0x38;
	[tilespmem:$0x12800] =	vst v63  }
0xd: {  	_ =	swait.ge [sflag:s7], $0x2800  }
0xe: {  	[sflag:s7] =	ssyncset.done $0x0  }
0xf: {  	s13 =	simm.s32 $0x0;
	[sflag:s7] =	ssyncadd.s32 $0xFFFFD800  }
0x10: {  	[tilespmem:s9], [sflag:$0x1] =	stream.indirect.gather [hbm4b:s3+s8], $0x80, s13, s8, $0xb8;
	[tilespmem:$0x12800] =	vst v63  }
0x11: {  	s30 =	simm.s32 $0x100  }
0x12: {  	[tilespmem:s10], [sflag:$0x1] =	stream.indirect.gather [hbm4b:s3+s8], $0x80, s30, s8, $0xb8;
	[tilespmem:$0x12800] =	vst v63  }
0x13: {  	_ =	swait.ge [sflag:s11], $0x8000  }
0x14: {  	[sflag:s11] =	ssyncset.done $0x0  }
0x15: {  	[sflag:s11] =	ssyncadd.s32 $0xFFFF8000  }
0x16: {  	_ =	swait.ge [sflag:s11], $0x8000  }
0x17: {  	[sflag:s11] =	ssyncset.done $0x0  }
0x18: {  	s31 =	sadd.s32 $0xFFFFF000, s6;
	[sflag:s11] =	ssyncadd.s32 $0xFFFF8000  }
0x19: {  	[hbm4b:s31+s2] =	stream.linear.scatter [tilespmem:s9], [sflag:$0x2], $0x8000, $0x38;
	[tilespmem:$0x12800] =	vst v63  }
0x1a: {  	_ =	swait.ge [sflag:s7], $0x8000  }
0x1b: {  	[sflag:s7] =	ssyncset.done $0x0  }
0x1c: {  	[sflag:s7] =	ssyncadd.s32 $0xFFFF8000  }
0x1d: {  	[hbm4b:s6+s2] =	stream.linear.scatter [tilespmem:s10], [sflag:$0x2], $0x8000, $0x38;
	[tilespmem:$0x12800] =	vst v63  }
0x1e: {  	s14 =	simm.s32 $0x800;
	_ =	swait.ge [sflag:s7], $0x8000  }
0x1f: {  	s15 =	simm.s32 $0x1000;
	s13 =	sadd.s32 $0x2000, s6;
	[sflag:s7] =	ssyncset.done $0x0  }
.LBB2_2:
0x20: {  	s16 =	sshra.s32 s14, $0x2  }
0x21: {  	[sflag:s7] =	ssyncadd.s32 $0xFFFF8000;
	s14 =	smov.u32 s15;
	s17 =	sadd.s32 $0x800, s15  }
0x22: {  	[tilespmem:s9], [sflag:$0x1] =	stream.indirect.gather [hbm4b:s3+s8], $0x80, s16, s8, $0xb8;
	[tilespmem:$0x12800] =	vst v63  }
0x23: {  	p0 =	sne.s32 s15, $0x9800;
	s15 =	sadd.s32 $0x100, s16  }
0x24: {  	[tilespmem:s10], [sflag:$0x1] =	stream.indirect.gather [hbm4b:s3+s8], $0x80, s15, s8, $0xb8;
	[tilespmem:$0x12800] =	vst v63  }
0x25: {  	_ =	swait.ge [sflag:s11], $0x8000  }
0x26: {  	[sflag:s11] =	ssyncset.done $0x0  }
0x27: {  	[sflag:s11] =	ssyncadd.s32 $0xFFFF8000  }
0x28: {  	_ =	swait.ge [sflag:s11], $0x8000  }
0x29: {  	[sflag:s11] =	ssyncset.done $0x0  }
0x2a: {  	s15 =	sadd.s32 $0xFFFFF000, s13;
	[sflag:s11] =	ssyncadd.s32 $0xFFFF8000  }
0x2b: {  	[hbm4b:s15+s2] =	stream.linear.scatter [tilespmem:s9], [sflag:$0x2], $0x8000, $0x38;
	[tilespmem:$0x12800] =	vst v63  }
0x2c: {  	_ =	swait.ge [sflag:s7], $0x8000  }
.Ltmp0:
0x2d: {  	[sflag:s7] =	ssyncset.done $0x0;
	(pc) =	sbr.rel @p0 .LBB2_2-.Ltmp0, $4  }
0x2e: {  	[sflag:s7] =	ssyncadd.s32 $0xFFFF8000  }
0x2f: {  	[hbm4b:s13+s2] =	stream.linear.scatter [tilespmem:s10], [sflag:$0x2], $0x8000, $0x38;
	[tilespmem:$0x12800] =	vst v63  }
0x30: {  	_ =	swait.ge [sflag:s7], $0x8000  }
0x31: {  	s15 =	smov.u32 s17;
	s13 =	sadd.s32 $0x2000, s13;
	[sflag:s7] =	ssyncset.done $0x0  }
0x32: {  	s14 =	sshra.s32 s14, $0x2;
	[sflag:s7] =	ssyncadd.s32 $0xFFFF8000  }
0x33: {  	[tilespmem:s9], [sflag:$0x1] =	stream.indirect.gather [hbm4b:s3+s8], $0x80, s14, s8, $0xb8;
	[tilespmem:$0x12800] =	vst v63  }
0x34: {  	s14 =	sadd.s32 $0x100, s14  }
0x35: {  	[tilespmem:s10], [sflag:$0x1] =	stream.indirect.gather [hbm4b:s3+s8], $0x80, s14, s8, $0xb8;
	[tilespmem:$0x12800] =	vst v63  }
0x36: {  	_ =	swait.ge [sflag:s11], $0x8000  }
0x37: {  	[sflag:s11] =	ssyncset.done $0x0  }
0x38: {  	[sflag:s11] =	ssyncadd.s32 $0xFFFF8000  }
0x39: {  	_ =	swait.ge [sflag:s11], $0x8000  }
0x3a: {  	[sflag:s11] =	ssyncset.done $0x0  }
0x3b: {  	s31 =	sadd.s32 $0xFFFFF000, s13;
	[sflag:s11] =	ssyncadd.s32 $0xFFFF8000  }
0x3c: {  	[hbm4b:s31+s2] =	stream.linear.scatter [tilespmem:s9], [sflag:$0x2], $0x8000, $0x38;
	[tilespmem:$0x12800] =	vst v63  }
0x3d: {  	s12 =	sadd.s32 $0x1, s12;
	_ =	swait.ge [sflag:s7], $0x8000  }
0x3e: {  	p0 =	sne.s32 s12, s5;
	[sflag:s7] =	ssyncset.done $0x0  }
.Ltmp1:
0x3f: {  	[sflag:s7] =	ssyncadd.s32 $0xFFFF8000;
	(pc) =	sbr.rel @p0 .LBB2_1-.Ltmp1, $4  }
0x40: {  	[hbm4b:s13+s2] =	stream.linear.scatter [tilespmem:s10], [sflag:$0x2], $0x8000, $0x38;
	[tilespmem:$0x12800] =	vst v63  }
0x41: {  	_ =	swait.ge [sflag:s7], $0x8000  }
0x42: {  	[sflag:s7] =	ssyncset.done $0x0  }
0x43: {  	[sflag:s7] =	ssyncadd.s32 $0xFFFF8000  }
0x44: {  	_ =	sfence.sel $0x180000  }
0x45: {  	[bflag:$0x0] =	sbarrier.arrive $0xFFFF  }
0x46: {  	p0 =	sne.s32 s0, $0x0;
	_ =	strace $0x9000004D  }
0x47: {  	s0 =	sadd.s32 @!p0 $0x100000, s1;
	[bflag:$0x2] =	sbarrier.arrive $0xFFFF  }
0x48: {  	[sflag:s0] =	ssyncadd.tile.s32 @!p0 $0x1;
	_ =	shalt  }
.Lfunc_end2:
_tile_overlayer_lowered:
.L_overlay_start_2:
0x49: {  	(tag) =	ssettag $0x2  }
0x4a: {  	s0 =	rddreg [dreg:$0x0];
	s2 =	stileid.u32  }
0x4b: {  	s1 =	rddreg [dreg:$0x1];
	p0 =	sne.s32 s2, $0x0  }
0x4c: {  	s3 =	rddreg [dreg:$0x2];
	[bflag:$0x3] =	sbarrier.arrive $0xFFFF;
	s2 =	simm.s32 @!p0 $0x1C02  }
0x4d: {  	[timem:s3], [sflag:s2] =	dma.local @!p0 [hbm:s0], s1  }
0x4e: {  	s0 =	simm.s32 @!p0 $0x2  }
0x4f: {  	_ =	swait.ge @!p0 [sflag:s0], s1  }
0x50: {  	s1 =	ssub.s32 @!p0 $0x0, s1;
	[sflag:s0] =	ssyncset.done @!p0 $0x0  }
0x51: {  	[sflag:s0] =	ssyncadd.s32 @!p0 s1  }
0x52: {  	[bflag:$0x3] =	sbarrier.arrive $0xFFFF  }
0x53: {  	_ =	shalt  }

// kernel: kernel.21.cloned.1.call-start
scs
__scs_entry_jumppad:
0x0: {  	(pc) =	sbr.rel $0x88, $3  }
0x1: {  	(tag) =	ssettag $0x0;
	lr =	simm.s32 $0x1  }
0x2: {  	[smem:$0x3F8D] =	sst lr;
	_ =	strace $0xD0000000  }
0x3: {  	_ = 	snop  }
0x4: {  	_ = 	snop  }
0x5: {  	_ = 	snop  }
0x6: {  	_ = 	snop  }
0x7: {  	_ = 	snop  }
__scs_overlays_trampoline_lowered:
0x8: {  	[smem:$0x3F9C] =	sst s0  }
0x9: {  	[smem:$0x3F9D] =	sst s1  }
0xa: {  	[smem:$0x3F9E] =	sst s2  }
0xb: {  	[smem:$0x3F9F] =	sst s3  }
0xc: {  	[smem:$0x3FA0] =	sst s4  }
0xd: {  	[smem:$0x3FA1] =	sst s5  }
0xe: {  	[smem:$0x3FA2] =	sst s6  }
0xf: {  	[smem:$0x3FA3] =	sst s7  }
0x10: {  	[smem:$0x3FA4] =	sst s8  }
0x11: {  	[smem:$0x3FA5] =	sst s9;
	s0 =	simm.s32 @!p0 $0x0  }
0x12: {  	s1 =	sld [smem:$0x3F8B];
	s0 =	simm.s32 @p0 $0x1  }
0x13: {  	[smem:$0x3FA6] =	sst s0;
	s0 =	simm.s32 @!p1 $0x0  }
0x14: {  	s2 =	sld [smem:$0x3F8A];
	s0 =	simm.s32 @p1 $0x1  }
0x15: {  	[smem:$0x3FA7] =	sst s0;
	s0 =	simm.s32 @!p2 $0x0  }
0x16: {  	s3 =	sld [smem:$0x3FDB];
	s0 =	simm.s32 @p2 $0x1  }
0x17: {  	s4 =	simm.s32 $0x1BF5;
	[smem:$0x3FA9] =	sst s0  }
0x18: {  	s0 =	sld [smem:$0x3F8C];
	_ =	swait.ge [sflag:s4], $0x0  }
0x19: {  	s7 =	sld [smem:$0x3F8D]  }
0x1a: {  	s8 =	sadd.s32 $0xFFFFE003, lr  }
0x1b: {  	s9 =	sadd.s32 $0xFFFFFEF7, lr;
	s5 =	simm.s32 $0xFFFFFFFF;
	p2 =	slt.u32 s8, $0xFFFFF086  }
0x1c: {  	p1 =	slt.u32 s9, $0xF7A;
	s5 =	simm.s32 @!p2 $0x0  }
0x1d: {  	s5 =	simm.s32 @p1 $0x1;
	p0 =	seq.s32 s7, s2  }
0x1e: {  	s7 =	smul.u32 @!p0 $0xF7A, s2;
	p2 =	seq.s32 @!p0 s5, $0x0  }
0x1f: {  	s9 =	smul.u32 $0xF7A, s1;
	s8 =	simm.s32 @!p0 $0x1BF5;
	p2 =	por !p2, p0  }
0x20: {  	[sflag:s8] =	ssyncset.s32 @!p0 $0xFFFFF086;
	s6 =	sadd.s32 @!p0 s3, s7;
	s7 =	simm.s32 @!p0 $0x108  }
0x21: {  	s3 =	sadd.s32 s3, s9;
	s6 =	sadd.s32 @!p0 $0x88, s6;
	s7 =	simm.s32 @p2 $0x1082  }
0x22: {  	[simem:s7], [sflag:s8] =	dma.local @!p0 [hbm:s6], $0xF7A  }
0x23: {  	s9 =	sor.u32 $0xD0000000, s2;
	s6 =	simm.s32 $0x108;
	_ =	swait.ge @!p0 [sflag:s8], $0x0  }
0x24: {  	s3 =	sadd.s32 $0x88, s3;
	s6 =	simm.s32 @!p1 $0x1082;
	[sflag:s4] =	ssyncset.s32 $0xFFFFF086  }
0x25: {  	[simem:s6], [sflag:s4] =	dma.local [hbm:s3], $0xF7A  }
0x26: {  	[smem:$0x3F8D] =	sst s1;
	(tag) =	ssettag s2;
	_ =	strace s9  }
0x27: {  	s1 =	sld [smem:$0x3F9D]  }
0x28: {  	s2 =	sld [smem:$0x3F9E]  }
0x29: {  	s4 =	sld [smem:$0x3FA0]  }
0x2a: {  	p0 =	seq.s32 s5, $0x0;
	s5 =	sld [smem:$0x3FA1]  }
0x2b: {  	s6 =	sld [smem:$0x3FA2]  }
0x2c: {  	s7 =	sld [smem:$0x3FA3]  }
0x2d: {  	s3 =	simm.s32 $0x108;
	s8 =	sld [smem:$0x3FA4]  }
0x2e: {  	s3 =	simm.s32 @!p0 $0x1082;
	s9 =	sld [smem:$0x3FA5]  }
0x2f: {  	lr =	sadd.s32 s0, s3;
	s0 =	sld [smem:$0x3F9C]  }
0x30: {  	s3 =	sld [smem:$0x3F9F]  }
0x31: {  	[smem:$0x3FA8] =	sst s10  }
0x32: {  	s10 =	sld [smem:$0x3FA6];
	_ =	sdelay $0x3  }
0x33: {  	p0 =	seq.s32 s10, $0x1;
	s10 =	sld [smem:$0x3FA8];
	_ =	sdelay $0x3  }
0x34: {  	[smem:$0x3FA8] =	sst s10  }
0x35: {  	s10 =	sld [smem:$0x3FA7];
	_ =	sdelay $0x3  }
0x36: {  	p1 =	seq.s32 s10, $0x1;
	s10 =	sld [smem:$0x3FA8];
	_ =	sdelay $0x3  }
0x37: {  	[smem:$0x3FA8] =	sst s10  }
0x38: {  	s10 =	sld [smem:$0x3FA9]  }
0x39: {  	_ = 	snop;
	(pc) =	sbr.ind lr, $3  }
0x3a: {  	_ = 	snop  }
0x3b: {  	_ = 	snop  }
0x3c: {  	p2 =	seq.s32 s10, $0x1;
	s10 =	sld [smem:$0x3FA8]  }
0x3d: {  	_ =	shalt  }
0x3e: {  	_ =	shalt  }
0x3f: {  	_ =	shalt  }
0x40: {  	_ =	shalt  }
0x41: {  	_ =	shalt  }
0x42: {  	_ =	shalt  }
0x43: {  	_ =	shalt  }
0x44: {  	_ =	shalt  }
0x45: {  	_ =	shalt  }
0x46: {  	_ =	shalt  }
0x47: {  	_ =	shalt  }
0x48: {  	_ =	shalt  }
0x49: {  	_ =	shalt  }
0x4a: {  	_ =	shalt  }
0x4b: {  	_ =	shalt  }
0x4c: {  	_ =	shalt  }
0x4d: {  	_ =	shalt  }
0x4e: {  	_ =	shalt  }
0x4f: {  	_ =	shalt  }
0x50: {  	_ =	shalt  }
0x51: {  	_ =	shalt  }
0x52: {  	_ =	shalt  }
0x53: {  	_ =	shalt  }
0x54: {  	_ =	shalt  }
0x55: {  	_ =	shalt  }
0x56: {  	_ =	shalt  }
0x57: {  	_ =	shalt  }
0x58: {  	_ =	shalt  }
0x59: {  	_ =	shalt  }
0x5a: {  	_ =	shalt  }
0x5b: {  	_ =	shalt  }
0x5c: {  	_ =	shalt  }
0x5d: {  	_ =	shalt  }
0x5e: {  	_ =	shalt  }
0x5f: {  	_ =	shalt  }
0x60: {  	_ =	shalt  }
0x61: {  	_ =	shalt  }
0x62: {  	_ =	shalt  }
0x63: {  	_ =	shalt  }
0x64: {  	_ =	shalt  }
0x65: {  	_ =	shalt  }
0x66: {  	_ =	shalt  }
0x67: {  	_ =	shalt  }
0x68: {  	_ =	shalt  }
0x69: {  	_ =	shalt  }
0x6a: {  	_ =	shalt  }
0x6b: {  	_ =	shalt  }
0x6c: {  	_ =	shalt  }
0x6d: {  	_ =	shalt  }
0x6e: {  	_ =	shalt  }
0x6f: {  	_ =	shalt  }
0x70: {  	_ =	shalt  }
0x71: {  	_ =	shalt  }
0x72: {  	_ =	shalt  }
0x73: {  	_ =	shalt  }
0x74: {  	_ =	shalt  }
0x75: {  	_ =	shalt  }
0x76: {  	_ =	shalt  }
0x77: {  	_ =	shalt  }
0x78: {  	_ =	shalt  }
0x79: {  	_ =	shalt  }
0x7a: {  	_ =	shalt  }
0x7b: {  	_ =	shalt  }
0x7c: {  	_ =	shalt  }
0x7d: {  	_ =	shalt  }
0x7e: {  	_ =	shalt  }
0x7f: {  	_ =	shalt  }
0x80: {  	_ =	shalt  }
0x81: {  	_ =	shalt  }
0x82: {  	_ =	shalt  }
0x83: {  	_ =	shalt  }
0x84: {  	_ =	shalt  }
0x85: {  	_ =	shalt  }
0x86: {  	_ =	shalt  }
0x87: {  	_ =	shalt  }
.Lfunc_end0:
.L_simem_size_0:
called_computation.3_lowered:
.L_overlay_start_0:
0x88: {  	s2 =	sld [smem:$0x3FD9]  }
0x89: {  	s3 =	sld [smem:$0x3FFE];
	_ =	sdelay $0x1  }
0x8a: {  	s1 =	srdreg.scid  }
0x8b: {  	s0 =	sand.u32 $0x1, s1  }
0x8c: {  	s16 =	sshll.u32 s0, $0xA;
	s2 =	sadd.s32 s3, s2  }
0x8d: {  	s2 =	sadd.s32 s2, s16  }
0x8e: {  	[smem:$0x3FB4] =	sst s2  }
0x8f: {  	_ = 	snop  }
0x90: {  	(tm) =	ssettm $0x1  }
0x91: {  	s17 =	sld [smem:$0x3FFB];
	_ =	sdelay $0x3  }
0x92: {  	_ =	strace s17  }
0x93: {  	s2 =	sld [smem:$0x3FFC];
	_ =	sdelay $0x3  }
0x94: {  	_ =	strace s2  }
0x95: {  	s2 =	sld [smem:$0x3FFD];
	_ =	sdelay $0x3  }
0x96: {  	_ =	strace s2  }
0x97: {  	_ =	strace $0x8FFFFFFF  }
0x98: {  	s18 =	sld [smem:$0x3FDB];
	_ =	sdelay $0x1  }
0x99: {  	s19 =	simm.s32 $_scs_section_size  }
0x9a: {  	s4 =	simm.s32 $_size__tile_overlayer_lowered;
	s5 =	simm.s32 $_tile_overlayer_lowered  }
0x9b: {  	s22 =	simm.s32 $0x1BFF;
	s21 =	sshll.u32 s5, $0x1;
	s2 =	sadd.s32 s19, s18  }
0x9c: {  	s6 =	simm.s32 $0x0;
	s20 =	sshll.u32 s4, $0x1;
	s4 =	sadd.s32 s21, s2  }
0x9d: {  	[timem:s6], [sflag:s22] =	dma.local [hbm:s4], s20  }
0x9e: {  	_ =	swait.ge [sflag:s22], s20  }
0x9f: {  	s3 =	ssub.s32 $0x0, s20;
	[sflag:s22] =	ssyncset.done $0x0  }
0xa0: {  	[sflag:s22] =	ssyncadd.s32 s3;
	_ =	sdelay $0x1  }
0xa1: {  	s23 =	simm.s32 $0x1B8B  }
0xa2: {  	_ =	swait.ge [sflag:s23], $0x1  }
0xa3: {  	[sflag:s23] =	ssyncset.done $0x0  }
0xa4: {  	s25 =	simm.s32 $0x1B8E;
	s24 =	sld [smem:$0x3FFE];
	[sflag:s23] =	ssyncadd.s32 $0xFFFFFFFF  }
0xa5: {  	s26 =	simm.s32 $execute0_lowered;
	[smem:$0x3FD2] =	sst s25  }
0xa6: {  	s4 =	sshll.u32 s26, $0x1;
	_ =	strace $0x8000004F;
	[dreg:$0x1] =	wrdreg $0xFFFFFFFF  }
0xa7: {  	s28 =	simm.s32 $_size_execute0_lowered;
	s2 =	sadd.s32 s2, s4;
	[dreg:$0x0] =	wrdreg $0x0  }
0xa8: {  	s4 =	sshll.u32 s28, $0x1;
	[dreg:$0x2] =	wrdreg s2  }
0xa9: {  	[dreg:$0x3] =	wrdreg s4  }
0xaa: {  	[dreg:$0x4] =	wrdreg $0xC0  }
0xab: {  	_ =	task [dreg:s6], $0x5FFFF  }
0xac: {  	[dreg:$0x1] =	wrdreg $0xFFFFFFFF  }
0xad: {  	[dreg:$0x0] =	wrdreg $0x60  }
0xae: {  	[dreg:$0x2] =	wrdreg s24  }
0xaf: {  	[dreg:$0x3] =	wrdreg $0xA8000  }
0xb0: {  	[dreg:$0x4] =	wrdreg $0x9  }
0xb1: {  	_ =	task.clear_ibuf [dreg:s6], $0x5FFFF;
	_ =	strace $0x9000004F  }
0xb2: {  	s29 =	simm.s32 $0x9;
	_ =	strace $0x80000051  }
0xb3: {  	_ =	swait.ge [sflag:s29], $0x1  }
0xb4: {  	[sflag:s29] =	ssyncadd.s32 $0xFFFFFFFF  }
0xb5: {  	_ =	strace $0x90000051  }
0xb6: {  	_ =	sfence  }
0xb7: {  	s30 =	sld [smem:$0x0];
	_ =	sdelay $0x2  }
0xb8: {  	s31 =	sshll.u32 s1, $0xD;
	s1 =	sshrl.u32 s1, $0x2  }
0xb9: {  	s3 =	sand.u32 $0x4000, s31;
	s1 =	sadd.s32 s1, s30  }
0xba: {  	s0 =	sor.u32 s3, s0;
	s1 =	sshll.u32 s1, $0x11  }
0xbb: {  	s0 =	sor.u32 s1, s0  }
0xbc: {  	s0 =	sadd.s32 $0x8F2B, s0  }
0xbd: {  	[sflag:s0] =	ssyncadd.remote.s32 $0x1  }
0xbe: {  	_ =	sfence.sel $0xFFFF  }
0xbf: {  	[dreg:$0x0] =	wrdreg $0xFFFFFFFF;
	(pc) =	sbr.abs _section_cstart, $3  }
0xc0: {  	[dreg:$0x1] =	wrdreg $0xFFFFFFFF  }
0xc1: {  	_ =	task.clear_ibuf [dreg:s6], $0x2FFFF;
	_ =	strace $0x9FFFFFFF  }
0xc2: {  	(tm) =	ssettm $0x7FFFFFFF  }
0xc3: {  	_ =	shalt  }
tec
execute0_lowered:
.L_overlay_start_1:
0x0: {  	(tag) =	ssettag $0x1  }
0x1: {  	s0 =	stileid.u32  }
0x2: {  	s1 =	srdreg.scid;
	s6 =	rddreg [dreg:$0x0]  }
0x3: {  	s2 =	rddreg [dreg:$0x1];
	s3 =	simm.s32 $0x0;
	s14 =	simm.s32 $0x6800  }
0x4: {  	s15 =	simm.s32 $0x1;
	s16 =	simm.s32 $0x0;
	s4 =	smul.u32 $0x50000, s0  }
0x5: {  	s5 =	sand.u32 $0x1, s1;
	s28 =	sshll.u32 s0, $0x1;
	s9 =	smul.u32 $0x13C00, s0  }
0x6: {  	[smem:$0x7FF] =	sst s3;
	s11 =	smul.u32 $0x4F000, s0;
	s12 =	sshll.u32 s0, $0x6  }
0x7: {  	s1 =	sor.u32 s5, s28;
	s8 =	smul.u32 $0x13C000, s5;
	s30 =	ssub.s32 $0x2, s5  }
0x8: {  	s13 =	smul.u32 $0x28000, s5;
	s5 =	sor.u32 $0x1C02, s12;
	s12 =	simm.s32 $0x2800  }
0x9: {  	s7 =	smul.u32 $0x500, s1;
	s1 =	rddreg [dreg:$0x2];
	_ =	strace $0x80000050  }
0xa: {  	s10 =	sadd.s32 s4, s6;
	s4 =	sadd.s32 $0x5200, s6;
	s31 =	sshrl.u32 s30, $0x1  }
0xb: {  	s11 =	sshrl.u32 s11, $0x2;
	s29 =	sadd.s32 s9, s8;
	s9 =	ssub.s32 s30, s31  }
0xc: {  	s11 =	sadd.s32 s11, s2;
	s10 =	sadd.s32 s13, s10;
	s8 =	sshrl.u32 s29, $0x3  }
0xd: {  	s13 =	simm.s32 $0x80;
	s7 =	sadd.s32 s7, s6;
	s8 =	sadd.s32 s8, s6  }
0xe: {  	s6 =	sadd.s32 $0x519000, s7;
	s7 =	sadd.s32 $0x40200, s8;
	s8 =	smax.u32 s9, $0x1  }
0xf: {  	s9 =	sadd.s32 $0x523000, s10;
	s10 =	sshrl.u32 s11, $0x3;
	s11 =	simm.s32 $0x2  }
.LBB2_1:
0x10: {  	[spmem:s10], [sflag:s5] =	dma.local [hbm:s4], $0x2780  }
0x11: {  	_ =	swait.ge [sflag:s11], $0x2780  }
0x12: {  	[sflag:s11] =	ssyncset.done $0x0  }
0x13: {  	[sflag:s11] =	ssyncadd.s32 $0xFFFFD880  }
0x14: {  	[tilespmem:s3], [sflag:$0x2] =	stream.linear.gather [hbm4b:s6+s3], $0x2800, $0x38;
	[tilespmem:$0x1E400] =	vst v63  }
0x15: {  	_ =	swait.ge [sflag:s11], $0x2800  }
0x16: {  	[sflag:s11] =	ssyncset.done $0x0  }
0x17: {  	[sflag:s11] =	ssyncadd.s32 $0xFFFFD800  }
0x18: {  	s17 =	sadd.s32 $0x0, s9;
	[bflag:$0x0] =	sbarrier.arrive $0xFFFF  }
0x19: {  	[tilespmem:s12], [sflag:$0x2] =	stream.linear.gather [hbm4b:s17+s3], $0x8000, $0x38;
	[tilespmem:$0x1E400] =	vst v63  }
0x1a: {  	_ =	swait.ge [sflag:s11], $0x8000  }
0x1b: {  	[sflag:s11] =	ssyncset.done $0x0  }
0x1c: {  	s31 =	simm.s32 $0x0;
	[sflag:s11] =	ssyncadd.s32 $0xFFFF8000  }
0x1d: {  	[spmem:s2] =	stream.indirect.scatter.add.f32 [tilespmem:s12], [sflag:$0x1], $0x80, s31, s13, $0xb8;
	[tilespmem:$0x1E400] =	vst v63  }
0x1e: {  	_ = 	snop  }
0x1f: {  	[spmem:s2] =	stream.indirect.scatter.add.f32 [tilespmem:s14], [sflag:$0x1], $0x80, s13, s13, $0xb8;
	[tilespmem:$0x1E400] =	vst v63  }
0x20: {  	_ =	swait.ge [sflag:s15], $0x4000  }
0x21: {  	[sflag:s15] =	ssyncset.done $0x0  }
0x22: {  	[sflag:s15] =	ssyncadd.s32 $0xFFFFC000  }
0x23: {  	s18 =	simm.s32 $0x1000;
	_ =	swait.ge [sflag:s15], $0x4000  }
0x24: {  	s19 =	simm.s32 $0x2000;
	s17 =	simm.s32 $0x180;
	[sflag:s15] =	ssyncset.done $0x0  }
.LBB2_2:
0x25: {  	s20 =	sadd.s32 s18, s9  }
0x26: {  	[sflag:s15] =	ssyncadd.s32 $0xFFFFC000;
	s18 =	smov.u32 s19;
	s21 =	sadd.s32 $0x1000, s19  }
0x27: {  	[tilespmem:s12], [sflag:$0x2] =	stream.linear.gather [hbm4b:s20+s3], $0x8000, $0x38;
	[tilespmem:$0x1E400] =	vst v63  }
0x28: {  	p0 =	sne.s32 s19, $0x27000;
	_ =	swait.ge [sflag:s11], $0x8000  }
0x29: {  	[sflag:s11] =	ssyncset.done $0x0  }
0x2a: {  	s19 =	sadd.s32 $0xFFFFFF80, s17;
	[sflag:s11] =	ssyncadd.s32 $0xFFFF8000  }
0x2b: {  	[spmem:s2] =	stream.indirect.scatter.add.f32 [tilespmem:s12], [sflag:$0x1], $0x80, s19, s13, $0xb8;
	[tilespmem:$0x1E400] =	vst v63  }
0x2c: {  	_ = 	snop  }
0x2d: {  	[spmem:s2] =	stream.indirect.scatter.add.f32 [tilespmem:s14], [sflag:$0x1], $0x80, s17, s13, $0xb8;
	[tilespmem:$0x1E400] =	vst v63  }
.Ltmp0:
0x2e: {  	_ =	swait.ge [sflag:s15], $0x4000;
	(pc) =	sbr.rel @p0 .LBB2_2-.Ltmp0, $4  }
0x2f: {  	[sflag:s15] =	ssyncset.done $0x0  }
0x30: {  	[sflag:s15] =	ssyncadd.s32 $0xFFFFC000  }
0x31: {  	_ =	swait.ge [sflag:s15], $0x4000  }
0x32: {  	s19 =	smov.u32 s21;
	s17 =	sadd.s32 $0x100, s17;
	[sflag:s15] =	ssyncset.done $0x0  }
0x33: {  	s18 =	sadd.s32 s18, s9;
	[sflag:s15] =	ssyncadd.s32 $0xFFFFC000  }
0x34: {  	[tilespmem:s12], [sflag:$0x2] =	stream.linear.gather [hbm4b:s18+s3], $0x8000, $0x38;
	[tilespmem:$0x1E400] =	vst v63  }
0x35: {  	_ =	swait.ge [sflag:s11], $0x8000  }
0x36: {  	[sflag:s11] =	ssyncset.done $0x0  }
0x37: {  	s31 =	sadd.s32 $0xFFFFFF80, s17;
	[sflag:s11] =	ssyncadd.s32 $0xFFFF8000  }
0x38: {  	[spmem:s2] =	stream.indirect.scatter.add.f32 [tilespmem:s12], [sflag:$0x1], $0x80, s31, s13, $0xb8;
	[tilespmem:$0x1E400] =	vst v63  }
0x39: {  	_ = 	snop  }
0x3a: {  	[spmem:s2] =	stream.indirect.scatter.add.f32 [tilespmem:s14], [sflag:$0x1], $0x80, s17, s13, $0xb8;
	[tilespmem:$0x1E400] =	vst v63  }
0x3b: {  	_ =	swait.ge [sflag:s15], $0x4000  }
0x3c: {  	[sflag:s15] =	ssyncset.done $0x0  }
0x3d: {  	[sflag:s15] =	ssyncadd.s32 $0xFFFFC000  }
0x3e: {  	_ =	swait.ge [sflag:s15], $0x4000  }
0x3f: {  	s16 =	sadd.s32 $0x1, s16;
	[sflag:s15] =	ssyncset.done $0x0  }
0x40: {  	p0 =	sne.s32 s16, s8;
	[sflag:s15] =	ssyncadd.s32 $0xFFFFC000  }
.Ltmp1:
0x41: {  	[bflag:$0x0] =	sbarrier.arrive $0xFFFF;
	(pc) =	sbr.rel @p0 .LBB2_1-.Ltmp1, $4  }
0x42: {  	[hbm:s7], [sflag:s5] =	dma.local [spmem:s10], $0x2780  }
0x43: {  	_ =	swait.ge [sflag:s11], $0x2780  }
0x44: {  	[sflag:s11] =	ssyncset.done $0x0  }
0x45: {  	[sflag:s11] =	ssyncadd.s32 $0xFFFFD880  }
0x46: {  	_ =	sfence.sel $0x180000  }
0x47: {  	[bflag:$0x0] =	sbarrier.arrive $0xFFFF  }
0x48: {  	p0 =	sne.s32 s0, $0x0;
	_ =	strace $0x90000050  }
0x49: {  	s0 =	sadd.s32 @!p0 $0x100000, s1;
	[bflag:$0x2] =	sbarrier.arrive $0xFFFF  }
0x4a: {  	[sflag:s0] =	ssyncadd.tile.s32 @!p0 $0x1;
	_ =	shalt  }
.Lfunc_end2:
_tile_overlayer_lowered:
.L_overlay_start_2:
0x4b: {  	(tag) =	ssettag $0x2  }
0x4c: {  	s0 =	rddreg [dreg:$0x0];
	s2 =	stileid.u32  }
0x4d: {  	s1 =	rddreg [dreg:$0x1];
	p0 =	sne.s32 s2, $0x0  }
0x4e: {  	s3 =	rddreg [dreg:$0x2];
	[bflag:$0x3] =	sbarrier.arrive $0xFFFF;
	s2 =	simm.s32 @!p0 $0x1C02  }
0x4f: {  	[timem:s3], [sflag:s2] =	dma.local @!p0 [hbm:s0], s1  }
0x50: {  	s0 =	simm.s32 @!p0 $0x2  }
0x51: {  	_ =	swait.ge @!p0 [sflag:s0], s1  }
0x52: {  	s1 =	ssub.s32 @!p0 $0x0, s1;
	[sflag:s0] =	ssyncset.done @!p0 $0x0  }
0x53: {  	[sflag:s0] =	ssyncadd.s32 @!p0 s1  }
0x54: {  	[bflag:$0x3] =	sbarrier.arrive $0xFFFF  }
0x55: {  	_ =	shalt  }

// kernel: kernel.24.cloned.1.call-start
scs
__scs_entry_jumppad:
0x0: {  	(pc) =	sbr.rel $0x88, $3  }
0x1: {  	(tag) =	ssettag $0x0;
	lr =	simm.s32 $0x1  }
0x2: {  	[smem:$0x3F8D] =	sst lr;
	_ =	strace $0xD0000000  }
0x3: {  	_ = 	snop  }
0x4: {  	_ = 	snop  }
0x5: {  	_ = 	snop  }
0x6: {  	_ = 	snop  }
0x7: {  	_ = 	snop  }
__scs_overlays_trampoline_lowered:
0x8: {  	[smem:$0x3F9C] =	sst s0  }
0x9: {  	[smem:$0x3F9D] =	sst s1  }
0xa: {  	[smem:$0x3F9E] =	sst s2  }
0xb: {  	[smem:$0x3F9F] =	sst s3  }
0xc: {  	[smem:$0x3FA0] =	sst s4  }
0xd: {  	[smem:$0x3FA1] =	sst s5  }
0xe: {  	[smem:$0x3FA2] =	sst s6  }
0xf: {  	[smem:$0x3FA3] =	sst s7  }
0x10: {  	[smem:$0x3FA4] =	sst s8  }
0x11: {  	[smem:$0x3FA5] =	sst s9;
	s0 =	simm.s32 @!p0 $0x0  }
0x12: {  	s1 =	sld [smem:$0x3F8B];
	s0 =	simm.s32 @p0 $0x1  }
0x13: {  	[smem:$0x3FA6] =	sst s0;
	s0 =	simm.s32 @!p1 $0x0  }
0x14: {  	s2 =	sld [smem:$0x3F8A];
	s0 =	simm.s32 @p1 $0x1  }
0x15: {  	[smem:$0x3FA7] =	sst s0;
	s0 =	simm.s32 @!p2 $0x0  }
0x16: {  	s3 =	sld [smem:$0x3FDB];
	s0 =	simm.s32 @p2 $0x1  }
0x17: {  	s4 =	simm.s32 $0x1BF5;
	[smem:$0x3FA9] =	sst s0  }
0x18: {  	s0 =	sld [smem:$0x3F8C];
	_ =	swait.ge [sflag:s4], $0x0  }
0x19: {  	s7 =	sld [smem:$0x3F8D]  }
0x1a: {  	s8 =	sadd.s32 $0xFFFFE003, lr  }
0x1b: {  	s9 =	sadd.s32 $0xFFFFFEF7, lr;
	s5 =	simm.s32 $0xFFFFFFFF;
	p2 =	slt.u32 s8, $0xFFFFF086  }
0x1c: {  	p1 =	slt.u32 s9, $0xF7A;
	s5 =	simm.s32 @!p2 $0x0  }
0x1d: {  	s5 =	simm.s32 @p1 $0x1;
	p0 =	seq.s32 s7, s2  }
0x1e: {  	s7 =	smul.u32 @!p0 $0xF7A, s2;
	p2 =	seq.s32 @!p0 s5, $0x0  }
0x1f: {  	s9 =	smul.u32 $0xF7A, s1;
	s8 =	simm.s32 @!p0 $0x1BF5;
	p2 =	por !p2, p0  }
0x20: {  	[sflag:s8] =	ssyncset.s32 @!p0 $0xFFFFF086;
	s6 =	sadd.s32 @!p0 s3, s7;
	s7 =	simm.s32 @!p0 $0x108  }
0x21: {  	s3 =	sadd.s32 s3, s9;
	s6 =	sadd.s32 @!p0 $0x88, s6;
	s7 =	simm.s32 @p2 $0x1082  }
0x22: {  	[simem:s7], [sflag:s8] =	dma.local @!p0 [hbm:s6], $0xF7A  }
0x23: {  	s9 =	sor.u32 $0xD0000000, s2;
	s6 =	simm.s32 $0x108;
	_ =	swait.ge @!p0 [sflag:s8], $0x0  }
0x24: {  	s3 =	sadd.s32 $0x88, s3;
	s6 =	simm.s32 @!p1 $0x1082;
	[sflag:s4] =	ssyncset.s32 $0xFFFFF086  }
0x25: {  	[simem:s6], [sflag:s4] =	dma.local [hbm:s3], $0xF7A  }
0x26: {  	[smem:$0x3F8D] =	sst s1;
	(tag) =	ssettag s2;
	_ =	strace s9  }
0x27: {  	s1 =	sld [smem:$0x3F9D]  }
0x28: {  	s2 =	sld [smem:$0x3F9E]  }
0x29: {  	s4 =	sld [smem:$0x3FA0]  }
0x2a: {  	p0 =	seq.s32 s5, $0x0;
	s5 =	sld [smem:$0x3FA1]  }
0x2b: {  	s6 =	sld [smem:$0x3FA2]  }
0x2c: {  	s7 =	sld [smem:$0x3FA3]  }
0x2d: {  	s3 =	simm.s32 $0x108;
	s8 =	sld [smem:$0x3FA4]  }
0x2e: {  	s3 =	simm.s32 @!p0 $0x1082;
	s9 =	sld [smem:$0x3FA5]  }
0x2f: {  	lr =	sadd.s32 s0, s3;
	s0 =	sld [smem:$0x3F9C]  }
0x30: {  	s3 =	sld [smem:$0x3F9F]  }
0x31: {  	[smem:$0x3FA8] =	sst s10  }
0x32: {  	s10 =	sld [smem:$0x3FA6];
	_ =	sdelay $0x3  }
0x33: {  	p0 =	seq.s32 s10, $0x1;
	s10 =	sld [smem:$0x3FA8];
	_ =	sdelay $0x3  }
0x34: {  	[smem:$0x3FA8] =	sst s10  }
0x35: {  	s10 =	sld [smem:$0x3FA7];
	_ =	sdelay $0x3  }
0x36: {  	p1 =	seq.s32 s10, $0x1;
	s10 =	sld [smem:$0x3FA8];
	_ =	sdelay $0x3  }
0x37: {  	[smem:$0x3FA8] =	sst s10  }
0x38: {  	s10 =	sld [smem:$0x3FA9]  }
0x39: {  	_ = 	snop;
	(pc) =	sbr.ind lr, $3  }
0x3a: {  	_ = 	snop  }
0x3b: {  	_ = 	snop  }
0x3c: {  	p2 =	seq.s32 s10, $0x1;
	s10 =	sld [smem:$0x3FA8]  }
0x3d: {  	_ =	shalt  }
0x3e: {  	_ =	shalt  }
0x3f: {  	_ =	shalt  }
0x40: {  	_ =	shalt  }
0x41: {  	_ =	shalt  }
0x42: {  	_ =	shalt  }
0x43: {  	_ =	shalt  }
0x44: {  	_ =	shalt  }
0x45: {  	_ =	shalt  }
0x46: {  	_ =	shalt  }
0x47: {  	_ =	shalt  }
0x48: {  	_ =	shalt  }
0x49: {  	_ =	shalt  }
0x4a: {  	_ =	shalt  }
0x4b: {  	_ =	shalt  }
0x4c: {  	_ =	shalt  }
0x4d: {  	_ =	shalt  }
0x4e: {  	_ =	shalt  }
0x4f: {  	_ =	shalt  }
0x50: {  	_ =	shalt  }
0x51: {  	_ =	shalt  }
0x52: {  	_ =	shalt  }
0x53: {  	_ =	shalt  }
0x54: {  	_ =	shalt  }
0x55: {  	_ =	shalt  }
0x56: {  	_ =	shalt  }
0x57: {  	_ =	shalt  }
0x58: {  	_ =	shalt  }
0x59: {  	_ =	shalt  }
0x5a: {  	_ =	shalt  }
0x5b: {  	_ =	shalt  }
0x5c: {  	_ =	shalt  }
0x5d: {  	_ =	shalt  }
0x5e: {  	_ =	shalt  }
0x5f: {  	_ =	shalt  }
0x60: {  	_ =	shalt  }
0x61: {  	_ =	shalt  }
0x62: {  	_ =	shalt  }
0x63: {  	_ =	shalt  }
0x64: {  	_ =	shalt  }
0x65: {  	_ =	shalt  }
0x66: {  	_ =	shalt  }
0x67: {  	_ =	shalt  }
0x68: {  	_ =	shalt  }
0x69: {  	_ =	shalt  }
0x6a: {  	_ =	shalt  }
0x6b: {  	_ =	shalt  }
0x6c: {  	_ =	shalt  }
0x6d: {  	_ =	shalt  }
0x6e: {  	_ =	shalt  }
0x6f: {  	_ =	shalt  }
0x70: {  	_ =	shalt  }
0x71: {  	_ =	shalt  }
0x72: {  	_ =	shalt  }
0x73: {  	_ =	shalt  }
0x74: {  	_ =	shalt  }
0x75: {  	_ =	shalt  }
0x76: {  	_ =	shalt  }
0x77: {  	_ =	shalt  }
0x78: {  	_ =	shalt  }
0x79: {  	_ =	shalt  }
0x7a: {  	_ =	shalt  }
0x7b: {  	_ =	shalt  }
0x7c: {  	_ =	shalt  }
0x7d: {  	_ =	shalt  }
0x7e: {  	_ =	shalt  }
0x7f: {  	_ =	shalt  }
0x80: {  	_ =	shalt  }
0x81: {  	_ =	shalt  }
0x82: {  	_ =	shalt  }
0x83: {  	_ =	shalt  }
0x84: {  	_ =	shalt  }
0x85: {  	_ =	shalt  }
0x86: {  	_ =	shalt  }
0x87: {  	_ =	shalt  }
.Lfunc_end0:
.L_simem_size_0:
called_computation.4_lowered:
.L_overlay_start_0:
0x88: {  	s2 =	sld [smem:$0x3FD9]  }
0x89: {  	s3 =	sld [smem:$0x3FFE];
	_ =	sdelay $0x1  }
0x8a: {  	s1 =	srdreg.scid  }
0x8b: {  	s0 =	sand.u32 $0x1, s1  }
0x8c: {  	s16 =	sshll.u32 s0, $0xA;
	s2 =	sadd.s32 s3, s2  }
0x8d: {  	s2 =	sadd.s32 s2, s16  }
0x8e: {  	[smem:$0x3FB4] =	sst s2  }
0x8f: {  	_ = 	snop  }
0x90: {  	(tm) =	ssettm $0x1  }
0x91: {  	s17 =	sld [smem:$0x3FFB];
	_ =	sdelay $0x3  }
0x92: {  	_ =	strace s17  }
0x93: {  	s2 =	sld [smem:$0x3FFC];
	_ =	sdelay $0x3  }
0x94: {  	_ =	strace s2  }
0x95: {  	s2 =	sld [smem:$0x3FFD];
	_ =	sdelay $0x3  }
0x96: {  	_ =	strace s2  }
0x97: {  	_ =	strace $0x8FFFFFFF  }
0x98: {  	s18 =	sld [smem:$0x3FDB];
	_ =	sdelay $0x1  }
0x99: {  	s19 =	simm.s32 $_scs_section_size  }
0x9a: {  	s4 =	simm.s32 $_size__tile_overlayer_lowered;
	s5 =	simm.s32 $_tile_overlayer_lowered  }
0x9b: {  	s22 =	simm.s32 $0x1BFF;
	s21 =	sshll.u32 s5, $0x1;
	s2 =	sadd.s32 s19, s18  }
0x9c: {  	s6 =	simm.s32 $0x0;
	s20 =	sshll.u32 s4, $0x1;
	s4 =	sadd.s32 s21, s2  }
0x9d: {  	[timem:s6], [sflag:s22] =	dma.local [hbm:s4], s20  }
0x9e: {  	_ =	swait.ge [sflag:s22], s20  }
0x9f: {  	s3 =	ssub.s32 $0x0, s20;
	[sflag:s22] =	ssyncset.done $0x0  }
0xa0: {  	[sflag:s22] =	ssyncadd.s32 s3;
	_ =	sdelay $0x1  }
0xa1: {  	s23 =	simm.s32 $0x1B8B  }
0xa2: {  	_ =	swait.ge [sflag:s23], $0x1  }
0xa3: {  	[sflag:s23] =	ssyncset.done $0x0  }
0xa4: {  	s25 =	simm.s32 $0x1B8E;
	s24 =	sld [smem:$0x3FFE];
	[sflag:s23] =	ssyncadd.s32 $0xFFFFFFFF  }
0xa5: {  	s26 =	simm.s32 $execute0_lowered;
	[smem:$0x3FD2] =	sst s25  }
0xa6: {  	s4 =	sshll.u32 s26, $0x1;
	_ =	strace $0x80000052;
	[dreg:$0x1] =	wrdreg $0xFFFFFFFF  }
0xa7: {  	s28 =	simm.s32 $_size_execute0_lowered;
	s2 =	sadd.s32 s2, s4;
	[dreg:$0x0] =	wrdreg $0x0  }
0xa8: {  	s4 =	sshll.u32 s28, $0x1;
	[dreg:$0x2] =	wrdreg s2  }
0xa9: {  	[dreg:$0x3] =	wrdreg s4  }
0xaa: {  	[dreg:$0x4] =	wrdreg $0xC0  }
0xab: {  	_ =	task [dreg:s6], $0x5FFFF  }
0xac: {  	[dreg:$0x1] =	wrdreg $0xFFFFFFFF  }
0xad: {  	[dreg:$0x0] =	wrdreg $0x60  }
0xae: {  	[dreg:$0x2] =	wrdreg s24  }
0xaf: {  	[dreg:$0x3] =	wrdreg $0x9  }
0xb0: {  	_ =	task.clear_ibuf [dreg:s6], $0x4FFFF;
	_ =	strace $0x90000052  }
0xb1: {  	s29 =	simm.s32 $0x9;
	_ =	strace $0x80000054  }
0xb2: {  	_ =	swait.ge [sflag:s29], $0x1  }
0xb3: {  	[sflag:s29] =	ssyncadd.s32 $0xFFFFFFFF  }
0xb4: {  	_ =	strace $0x90000054  }
0xb5: {  	_ =	sfence  }
0xb6: {  	s30 =	sld [smem:$0x0];
	_ =	sdelay $0x2  }
0xb7: {  	s31 =	sshll.u32 s1, $0xD;
	s1 =	sshrl.u32 s1, $0x2  }
0xb8: {  	s3 =	sand.u32 $0x4000, s31;
	s1 =	sadd.s32 s1, s30  }
0xb9: {  	s0 =	sor.u32 s3, s0;
	s1 =	sshll.u32 s1, $0x11  }
0xba: {  	s0 =	sor.u32 s1, s0  }
0xbb: {  	s0 =	sadd.s32 $0x8F2B, s0  }
0xbc: {  	[sflag:s0] =	ssyncadd.remote.s32 $0x1  }
0xbd: {  	_ =	sfence.sel $0xFFFF  }
0xbe: {  	[dreg:$0x0] =	wrdreg $0xFFFFFFFF;
	(pc) =	sbr.abs _section_cstart, $3  }
0xbf: {  	[dreg:$0x1] =	wrdreg $0xFFFFFFFF  }
0xc0: {  	_ =	task.clear_ibuf [dreg:s6], $0x2FFFF;
	_ =	strace $0x9FFFFFFF  }
0xc1: {  	(tm) =	ssettm $0x7FFFFFFF  }
tec
execute0_lowered:
.L_overlay_start_1:
0x0: {  	(tag) =	ssettag $0x1  }
0x1: {  	s1 =	srdreg.scid  }
0x2: {  	s0 =	stileid.u32;
	s4 =	rddreg [dreg:$0x0]  }
0x3: {  	s2 =	simm.s32 $0x0;
	s10 =	simm.s32 $0xA800;
	s11 =	simm.s32 $0x1  }
0x4: {  	s12 =	simm.s32 $0x0;
	s5 =	sand.u32 $0x1, s1;
	s1 =	rddreg [dreg:$0x1]  }
0x5: {  	s3 =	sshll.u32 s0, $0x1;
	[smem:$0x7FF] =	sst s2;
	s7 =	smul.u32 $0x50000, s0  }
0x6: {  	s3 =	sor.u32 s5, s3;
	s8 =	ssub.s32 $0x2, s5;
	s5 =	smul.u32 $0x28000, s5  }
0x7: {  	_ =	strace $0x80000053;
	s6 =	smul.u32 $0x2800, s3;
	s9 =	sshrl.u32 s8, $0x1  }
0x8: {  	s3 =	sadd.s32 $0x19000, s4;
	s7 =	sadd.s32 s7, s4;
	s31 =	ssub.s32 s8, s9  }
0x9: {  	s7 =	sadd.s32 s5, s7;
	s8 =	simm.s32 $0x100;
	s6 =	sshrl.u32 s6, $0x3  }
0xa: {  	s9 =	simm.s32 $0x2800;
	s5 =	smax.u32 s31, $0x1;
	s4 =	sadd.s32 s6, s4  }
0xb: {  	s6 =	sadd.s32 $0x524000, s7;
	s7 =	simm.s32 $0x2;
	s4 =	sadd.s32 $0xF000, s4  }
.LBB2_1:
0xc: {  	[tilespmem:s2], [sflag:$0x2] =	stream.linear.gather [hbm4b:s4+s2], $0x2800, $0x38;
	[tilespmem:$0x12800] =	vst v63  }
0xd: {  	_ =	swait.ge [sflag:s7], $0x2800  }
0xe: {  	[sflag:s7] =	ssyncset.done $0x0  }
0xf: {  	s13 =	simm.s32 $0x0;
	[sflag:s7] =	ssyncadd.s32 $0xFFFFD800  }
0x10: {  	[tilespmem:s9], [sflag:$0x1] =	stream.indirect.gather [hbm4b:s3+s8], $0x80, s13, s8, $0xb8;
	[tilespmem:$0x12800] =	vst v63  }
0x11: {  	s30 =	simm.s32 $0x100  }
0x12: {  	[tilespmem:s10], [sflag:$0x1] =	stream.indirect.gather [hbm4b:s3+s8], $0x80, s30, s8, $0xb8;
	[tilespmem:$0x12800] =	vst v63  }
0x13: {  	_ =	swait.ge [sflag:s11], $0x8000  }
0x14: {  	[sflag:s11] =	ssyncset.done $0x0  }
0x15: {  	[sflag:s11] =	ssyncadd.s32 $0xFFFF8000  }
0x16: {  	_ =	swait.ge [sflag:s11], $0x8000  }
0x17: {  	[sflag:s11] =	ssyncset.done $0x0  }
0x18: {  	s31 =	sadd.s32 $0xFFFFF000, s6;
	[sflag:s11] =	ssyncadd.s32 $0xFFFF8000  }
0x19: {  	[hbm4b:s31+s2] =	stream.linear.scatter [tilespmem:s9], [sflag:$0x2], $0x8000, $0x38;
	[tilespmem:$0x12800] =	vst v63  }
0x1a: {  	_ =	swait.ge [sflag:s7], $0x8000  }
0x1b: {  	[sflag:s7] =	ssyncset.done $0x0  }
0x1c: {  	[sflag:s7] =	ssyncadd.s32 $0xFFFF8000  }
0x1d: {  	[hbm4b:s6+s2] =	stream.linear.scatter [tilespmem:s10], [sflag:$0x2], $0x8000, $0x38;
	[tilespmem:$0x12800] =	vst v63  }
0x1e: {  	s14 =	simm.s32 $0x800;
	_ =	swait.ge [sflag:s7], $0x8000  }
0x1f: {  	s15 =	simm.s32 $0x1000;
	s13 =	sadd.s32 $0x2000, s6;
	[sflag:s7] =	ssyncset.done $0x0  }
.LBB2_2:
0x20: {  	s16 =	sshra.s32 s14, $0x2  }
0x21: {  	[sflag:s7] =	ssyncadd.s32 $0xFFFF8000;
	s14 =	smov.u32 s15;
	s17 =	sadd.s32 $0x800, s15  }
0x22: {  	[tilespmem:s9], [sflag:$0x1] =	stream.indirect.gather [hbm4b:s3+s8], $0x80, s16, s8, $0xb8;
	[tilespmem:$0x12800] =	vst v63  }
0x23: {  	p0 =	sne.s32 s15, $0x9800;
	s15 =	sadd.s32 $0x100, s16  }
0x24: {  	[tilespmem:s10], [sflag:$0x1] =	stream.indirect.gather [hbm4b:s3+s8], $0x80, s15, s8, $0xb8;
	[tilespmem:$0x12800] =	vst v63  }
0x25: {  	_ =	swait.ge [sflag:s11], $0x8000  }
0x26: {  	[sflag:s11] =	ssyncset.done $0x0  }
0x27: {  	[sflag:s11] =	ssyncadd.s32 $0xFFFF8000  }
0x28: {  	_ =	swait.ge [sflag:s11], $0x8000  }
0x29: {  	[sflag:s11] =	ssyncset.done $0x0  }
0x2a: {  	s15 =	sadd.s32 $0xFFFFF000, s13;
	[sflag:s11] =	ssyncadd.s32 $0xFFFF8000  }
0x2b: {  	[hbm4b:s15+s2] =	stream.linear.scatter [tilespmem:s9], [sflag:$0x2], $0x8000, $0x38;
	[tilespmem:$0x12800] =	vst v63  }
0x2c: {  	_ =	swait.ge [sflag:s7], $0x8000  }
.Ltmp0:
0x2d: {  	[sflag:s7] =	ssyncset.done $0x0;
	(pc) =	sbr.rel @p0 .LBB2_2-.Ltmp0, $4  }
0x2e: {  	[sflag:s7] =	ssyncadd.s32 $0xFFFF8000  }
0x2f: {  	[hbm4b:s13+s2] =	stream.linear.scatter [tilespmem:s10], [sflag:$0x2], $0x8000, $0x38;
	[tilespmem:$0x12800] =	vst v63  }
0x30: {  	_ =	swait.ge [sflag:s7], $0x8000  }
0x31: {  	s15 =	smov.u32 s17;
	s13 =	sadd.s32 $0x2000, s13;
	[sflag:s7] =	ssyncset.done $0x0  }
0x32: {  	s14 =	sshra.s32 s14, $0x2;
	[sflag:s7] =	ssyncadd.s32 $0xFFFF8000  }
0x33: {  	[tilespmem:s9], [sflag:$0x1] =	stream.indirect.gather [hbm4b:s3+s8], $0x80, s14, s8, $0xb8;
	[tilespmem:$0x12800] =	vst v63  }
0x34: {  	s14 =	sadd.s32 $0x100, s14  }
0x35: {  	[tilespmem:s10], [sflag:$0x1] =	stream.indirect.gather [hbm4b:s3+s8], $0x80, s14, s8, $0xb8;
	[tilespmem:$0x12800] =	vst v63  }
0x36: {  	_ =	swait.ge [sflag:s11], $0x8000  }
0x37: {  	[sflag:s11] =	ssyncset.done $0x0  }
0x38: {  	[sflag:s11] =	ssyncadd.s32 $0xFFFF8000  }
0x39: {  	_ =	swait.ge [sflag:s11], $0x8000  }
0x3a: {  	[sflag:s11] =	ssyncset.done $0x0  }
0x3b: {  	s31 =	sadd.s32 $0xFFFFF000, s13;
	[sflag:s11] =	ssyncadd.s32 $0xFFFF8000  }
0x3c: {  	[hbm4b:s31+s2] =	stream.linear.scatter [tilespmem:s9], [sflag:$0x2], $0x8000, $0x38;
	[tilespmem:$0x12800] =	vst v63  }
0x3d: {  	s12 =	sadd.s32 $0x1, s12;
	_ =	swait.ge [sflag:s7], $0x8000  }
0x3e: {  	p0 =	sne.s32 s12, s5;
	[sflag:s7] =	ssyncset.done $0x0  }
.Ltmp1:
0x3f: {  	[sflag:s7] =	ssyncadd.s32 $0xFFFF8000;
	(pc) =	sbr.rel @p0 .LBB2_1-.Ltmp1, $4  }
0x40: {  	[hbm4b:s13+s2] =	stream.linear.scatter [tilespmem:s10], [sflag:$0x2], $0x8000, $0x38;
	[tilespmem:$0x12800] =	vst v63  }
0x41: {  	_ =	swait.ge [sflag:s7], $0x8000  }
0x42: {  	[sflag:s7] =	ssyncset.done $0x0  }
0x43: {  	[sflag:s7] =	ssyncadd.s32 $0xFFFF8000  }
0x44: {  	_ =	sfence.sel $0x180000  }
0x45: {  	[bflag:$0x0] =	sbarrier.arrive $0xFFFF  }
0x46: {  	p0 =	sne.s32 s0, $0x0;
	_ =	strace $0x90000053  }
0x47: {  	s0 =	sadd.s32 @!p0 $0x100000, s1;
	[bflag:$0x2] =	sbarrier.arrive $0xFFFF  }
0x48: {  	[sflag:s0] =	ssyncadd.tile.s32 @!p0 $0x1;
	_ =	shalt  }
.Lfunc_end2:
_tile_overlayer_lowered:
.L_overlay_start_2:
0x49: {  	(tag) =	ssettag $0x2  }
0x4a: {  	s0 =	rddreg [dreg:$0x0];
	s2 =	stileid.u32  }
0x4b: {  	s1 =	rddreg [dreg:$0x1];
	p0 =	sne.s32 s2, $0x0  }
0x4c: {  	s3 =	rddreg [dreg:$0x2];
	[bflag:$0x3] =	sbarrier.arrive $0xFFFF;
	s2 =	simm.s32 @!p0 $0x1C02  }
0x4d: {  	[timem:s3], [sflag:s2] =	dma.local @!p0 [hbm:s0], s1  }
0x4e: {  	s0 =	simm.s32 @!p0 $0x2  }
0x4f: {  	_ =	swait.ge @!p0 [sflag:s0], s1  }
0x50: {  	s1 =	ssub.s32 @!p0 $0x0, s1;
	[sflag:s0] =	ssyncset.done @!p0 $0x0  }
0x51: {  	[sflag:s0] =	ssyncadd.s32 @!p0 s1  }
0x52: {  	[bflag:$0x3] =	sbarrier.arrive $0xFFFF  }
0x53: {  	_ =	shalt  }

// kernel: kernel.27.cloned.1.call-start
scs
__scs_entry_jumppad:
0x0: {  	(pc) =	sbr.rel $0x88, $3  }
0x1: {  	(tag) =	ssettag $0x0;
	lr =	simm.s32 $0x1  }
0x2: {  	[smem:$0x3F8D] =	sst lr;
	_ =	strace $0xD0000000  }
0x3: {  	_ = 	snop  }
0x4: {  	_ = 	snop  }
0x5: {  	_ = 	snop  }
0x6: {  	_ = 	snop  }
0x7: {  	_ = 	snop  }
__scs_overlays_trampoline_lowered:
0x8: {  	[smem:$0x3F9C] =	sst s0  }
0x9: {  	[smem:$0x3F9D] =	sst s1  }
0xa: {  	[smem:$0x3F9E] =	sst s2  }
0xb: {  	[smem:$0x3F9F] =	sst s3  }
0xc: {  	[smem:$0x3FA0] =	sst s4  }
0xd: {  	[smem:$0x3FA1] =	sst s5  }
0xe: {  	[smem:$0x3FA2] =	sst s6  }
0xf: {  	[smem:$0x3FA3] =	sst s7  }
0x10: {  	[smem:$0x3FA4] =	sst s8  }
0x11: {  	[smem:$0x3FA5] =	sst s9;
	s0 =	simm.s32 @!p0 $0x0  }
0x12: {  	s1 =	sld [smem:$0x3F8B];
	s0 =	simm.s32 @p0 $0x1  }
0x13: {  	[smem:$0x3FA6] =	sst s0;
	s0 =	simm.s32 @!p1 $0x0  }
0x14: {  	s2 =	sld [smem:$0x3F8A];
	s0 =	simm.s32 @p1 $0x1  }
0x15: {  	[smem:$0x3FA7] =	sst s0;
	s0 =	simm.s32 @!p2 $0x0  }
0x16: {  	s3 =	sld [smem:$0x3FDB];
	s0 =	simm.s32 @p2 $0x1  }
0x17: {  	s4 =	simm.s32 $0x1BF5;
	[smem:$0x3FA9] =	sst s0  }
0x18: {  	s0 =	sld [smem:$0x3F8C];
	_ =	swait.ge [sflag:s4], $0x0  }
0x19: {  	s7 =	sld [smem:$0x3F8D]  }
0x1a: {  	s8 =	sadd.s32 $0xFFFFE003, lr  }
0x1b: {  	s9 =	sadd.s32 $0xFFFFFEF7, lr;
	s5 =	simm.s32 $0xFFFFFFFF;
	p2 =	slt.u32 s8, $0xFFFFF086  }
0x1c: {  	p1 =	slt.u32 s9, $0xF7A;
	s5 =	simm.s32 @!p2 $0x0  }
0x1d: {  	s5 =	simm.s32 @p1 $0x1;
	p0 =	seq.s32 s7, s2  }
0x1e: {  	s7 =	smul.u32 @!p0 $0xF7A, s2;
	p2 =	seq.s32 @!p0 s5, $0x0  }
0x1f: {  	s9 =	smul.u32 $0xF7A, s1;
	s8 =	simm.s32 @!p0 $0x1BF5;
	p2 =	por !p2, p0  }
0x20: {  	[sflag:s8] =	ssyncset.s32 @!p0 $0xFFFFF086;
	s6 =	sadd.s32 @!p0 s3, s7;
	s7 =	simm.s32 @!p0 $0x108  }
0x21: {  	s3 =	sadd.s32 s3, s9;
	s6 =	sadd.s32 @!p0 $0x88, s6;
	s7 =	simm.s32 @p2 $0x1082  }
0x22: {  	[simem:s7], [sflag:s8] =	dma.local @!p0 [hbm:s6], $0xF7A  }
0x23: {  	s9 =	sor.u32 $0xD0000000, s2;
	s6 =	simm.s32 $0x108;
	_ =	swait.ge @!p0 [sflag:s8], $0x0  }
0x24: {  	s3 =	sadd.s32 $0x88, s3;
	s6 =	simm.s32 @!p1 $0x1082;
	[sflag:s4] =	ssyncset.s32 $0xFFFFF086  }
0x25: {  	[simem:s6], [sflag:s4] =	dma.local [hbm:s3], $0xF7A  }
0x26: {  	[smem:$0x3F8D] =	sst s1;
	(tag) =	ssettag s2;
	_ =	strace s9  }
0x27: {  	s1 =	sld [smem:$0x3F9D]  }
0x28: {  	s2 =	sld [smem:$0x3F9E]  }
0x29: {  	s4 =	sld [smem:$0x3FA0]  }
0x2a: {  	p0 =	seq.s32 s5, $0x0;
	s5 =	sld [smem:$0x3FA1]  }
0x2b: {  	s6 =	sld [smem:$0x3FA2]  }
0x2c: {  	s7 =	sld [smem:$0x3FA3]  }
0x2d: {  	s3 =	simm.s32 $0x108;
	s8 =	sld [smem:$0x3FA4]  }
0x2e: {  	s3 =	simm.s32 @!p0 $0x1082;
	s9 =	sld [smem:$0x3FA5]  }
0x2f: {  	lr =	sadd.s32 s0, s3;
	s0 =	sld [smem:$0x3F9C]  }
0x30: {  	s3 =	sld [smem:$0x3F9F]  }
0x31: {  	[smem:$0x3FA8] =	sst s10  }
0x32: {  	s10 =	sld [smem:$0x3FA6];
	_ =	sdelay $0x3  }
0x33: {  	p0 =	seq.s32 s10, $0x1;
	s10 =	sld [smem:$0x3FA8];
	_ =	sdelay $0x3  }
0x34: {  	[smem:$0x3FA8] =	sst s10  }
0x35: {  	s10 =	sld [smem:$0x3FA7];
	_ =	sdelay $0x3  }
0x36: {  	p1 =	seq.s32 s10, $0x1;
	s10 =	sld [smem:$0x3FA8];
	_ =	sdelay $0x3  }
0x37: {  	[smem:$0x3FA8] =	sst s10  }
0x38: {  	s10 =	sld [smem:$0x3FA9]  }
0x39: {  	_ = 	snop;
	(pc) =	sbr.ind lr, $3  }
0x3a: {  	_ = 	snop  }
0x3b: {  	_ = 	snop  }
0x3c: {  	p2 =	seq.s32 s10, $0x1;
	s10 =	sld [smem:$0x3FA8]  }
0x3d: {  	_ =	shalt  }
0x3e: {  	_ =	shalt  }
0x3f: {  	_ =	shalt  }
0x40: {  	_ =	shalt  }
0x41: {  	_ =	shalt  }
0x42: {  	_ =	shalt  }
0x43: {  	_ =	shalt  }
0x44: {  	_ =	shalt  }
0x45: {  	_ =	shalt  }
0x46: {  	_ =	shalt  }
0x47: {  	_ =	shalt  }
0x48: {  	_ =	shalt  }
0x49: {  	_ =	shalt  }
0x4a: {  	_ =	shalt  }
0x4b: {  	_ =	shalt  }
0x4c: {  	_ =	shalt  }
0x4d: {  	_ =	shalt  }
0x4e: {  	_ =	shalt  }
0x4f: {  	_ =	shalt  }
0x50: {  	_ =	shalt  }
0x51: {  	_ =	shalt  }
0x52: {  	_ =	shalt  }
0x53: {  	_ =	shalt  }
0x54: {  	_ =	shalt  }
0x55: {  	_ =	shalt  }
0x56: {  	_ =	shalt  }
0x57: {  	_ =	shalt  }
0x58: {  	_ =	shalt  }
0x59: {  	_ =	shalt  }
0x5a: {  	_ =	shalt  }
0x5b: {  	_ =	shalt  }
0x5c: {  	_ =	shalt  }
0x5d: {  	_ =	shalt  }
0x5e: {  	_ =	shalt  }
0x5f: {  	_ =	shalt  }
0x60: {  	_ =	shalt  }
0x61: {  	_ =	shalt  }
0x62: {  	_ =	shalt  }
0x63: {  	_ =	shalt  }
0x64: {  	_ =	shalt  }
0x65: {  	_ =	shalt  }
0x66: {  	_ =	shalt  }
0x67: {  	_ =	shalt  }
0x68: {  	_ =	shalt  }
0x69: {  	_ =	shalt  }
0x6a: {  	_ =	shalt  }
0x6b: {  	_ =	shalt  }
0x6c: {  	_ =	shalt  }
0x6d: {  	_ =	shalt  }
0x6e: {  	_ =	shalt  }
0x6f: {  	_ =	shalt  }
0x70: {  	_ =	shalt  }
0x71: {  	_ =	shalt  }
0x72: {  	_ =	shalt  }
0x73: {  	_ =	shalt  }
0x74: {  	_ =	shalt  }
0x75: {  	_ =	shalt  }
0x76: {  	_ =	shalt  }
0x77: {  	_ =	shalt  }
0x78: {  	_ =	shalt  }
0x79: {  	_ =	shalt  }
0x7a: {  	_ =	shalt  }
0x7b: {  	_ =	shalt  }
0x7c: {  	_ =	shalt  }
0x7d: {  	_ =	shalt  }
0x7e: {  	_ =	shalt  }
0x7f: {  	_ =	shalt  }
0x80: {  	_ =	shalt  }
0x81: {  	_ =	shalt  }
0x82: {  	_ =	shalt  }
0x83: {  	_ =	shalt  }
0x84: {  	_ =	shalt  }
0x85: {  	_ =	shalt  }
0x86: {  	_ =	shalt  }
0x87: {  	_ =	shalt  }
.Lfunc_end0:
.L_simem_size_0:
called_computation.5_lowered:
.L_overlay_start_0:
0x88: {  	s2 =	sld [smem:$0x3FD9]  }
0x89: {  	s3 =	sld [smem:$0x3FFE];
	_ =	sdelay $0x1  }
0x8a: {  	s1 =	srdreg.scid  }
0x8b: {  	s0 =	sand.u32 $0x1, s1  }
0x8c: {  	s16 =	sshll.u32 s0, $0xA;
	s2 =	sadd.s32 s3, s2  }
0x8d: {  	s2 =	sadd.s32 s2, s16  }
0x8e: {  	[smem:$0x3FB4] =	sst s2  }
0x8f: {  	_ = 	snop  }
0x90: {  	(tm) =	ssettm $0x1  }
0x91: {  	s17 =	sld [smem:$0x3FFB];
	_ =	sdelay $0x3  }
0x92: {  	_ =	strace s17  }
0x93: {  	s2 =	sld [smem:$0x3FFC];
	_ =	sdelay $0x3  }
0x94: {  	_ =	strace s2  }
0x95: {  	s2 =	sld [smem:$0x3FFD];
	_ =	sdelay $0x3  }
0x96: {  	_ =	strace s2  }
0x97: {  	_ =	strace $0x8FFFFFFF  }
0x98: {  	s18 =	sld [smem:$0x3FDB];
	_ =	sdelay $0x1  }
0x99: {  	s19 =	simm.s32 $_scs_section_size  }
0x9a: {  	s4 =	simm.s32 $_size__tile_overlayer_lowered;
	s5 =	simm.s32 $_tile_overlayer_lowered  }
0x9b: {  	s22 =	simm.s32 $0x1BFF;
	s21 =	sshll.u32 s5, $0x1;
	s2 =	sadd.s32 s19, s18  }
0x9c: {  	s6 =	simm.s32 $0x0;
	s20 =	sshll.u32 s4, $0x1;
	s4 =	sadd.s32 s21, s2  }
0x9d: {  	[timem:s6], [sflag:s22] =	dma.local [hbm:s4], s20  }
0x9e: {  	_ =	swait.ge [sflag:s22], s20  }
0x9f: {  	s3 =	ssub.s32 $0x0, s20;
	[sflag:s22] =	ssyncset.done $0x0  }
0xa0: {  	[sflag:s22] =	ssyncadd.s32 s3;
	_ =	sdelay $0x1  }
0xa1: {  	s23 =	simm.s32 $0x1B8B  }
0xa2: {  	_ =	swait.ge [sflag:s23], $0x1  }
0xa3: {  	[sflag:s23] =	ssyncset.done $0x0  }
0xa4: {  	s25 =	simm.s32 $0x1B8E;
	s24 =	sld [smem:$0x3FFE];
	[sflag:s23] =	ssyncadd.s32 $0xFFFFFFFF  }
0xa5: {  	s26 =	simm.s32 $execute0_lowered;
	[smem:$0x3FD2] =	sst s25  }
0xa6: {  	s4 =	sshll.u32 s26, $0x1;
	_ =	strace $0x80000055;
	[dreg:$0x1] =	wrdreg $0xFFFFFFFF  }
0xa7: {  	s28 =	simm.s32 $_size_execute0_lowered;
	s2 =	sadd.s32 s2, s4;
	[dreg:$0x0] =	wrdreg $0x0  }
0xa8: {  	s4 =	sshll.u32 s28, $0x1;
	[dreg:$0x2] =	wrdreg s2  }
0xa9: {  	[dreg:$0x3] =	wrdreg s4  }
0xaa: {  	[dreg:$0x4] =	wrdreg $0xC0  }
0xab: {  	_ =	task [dreg:s6], $0x5FFFF  }
0xac: {  	[dreg:$0x1] =	wrdreg $0xFFFFFFFF  }
0xad: {  	[dreg:$0x0] =	wrdreg $0x60  }
0xae: {  	[dreg:$0x2] =	wrdreg s24  }
0xaf: {  	[dreg:$0x3] =	wrdreg $0xA8000  }
0xb0: {  	[dreg:$0x4] =	wrdreg $0x9  }
0xb1: {  	_ =	task.clear_ibuf [dreg:s6], $0x5FFFF;
	_ =	strace $0x90000055  }
0xb2: {  	s29 =	simm.s32 $0x9;
	_ =	strace $0x80000057  }
0xb3: {  	_ =	swait.ge [sflag:s29], $0x1  }
0xb4: {  	[sflag:s29] =	ssyncadd.s32 $0xFFFFFFFF  }
0xb5: {  	_ =	strace $0x90000057  }
0xb6: {  	_ =	sfence  }
0xb7: {  	s30 =	sld [smem:$0x0];
	_ =	sdelay $0x2  }
0xb8: {  	s31 =	sshll.u32 s1, $0xD;
	s1 =	sshrl.u32 s1, $0x2  }
0xb9: {  	s3 =	sand.u32 $0x4000, s31;
	s1 =	sadd.s32 s1, s30  }
0xba: {  	s0 =	sor.u32 s3, s0;
	s1 =	sshll.u32 s1, $0x11  }
0xbb: {  	s0 =	sor.u32 s1, s0  }
0xbc: {  	s0 =	sadd.s32 $0x8F2B, s0  }
0xbd: {  	[sflag:s0] =	ssyncadd.remote.s32 $0x1  }
0xbe: {  	_ =	sfence.sel $0xFFFF  }
0xbf: {  	[dreg:$0x0] =	wrdreg $0xFFFFFFFF;
	(pc) =	sbr.abs _section_cstart, $3  }
0xc0: {  	[dreg:$0x1] =	wrdreg $0xFFFFFFFF  }
0xc1: {  	_ =	task.clear_ibuf [dreg:s6], $0x2FFFF;
	_ =	strace $0x9FFFFFFF  }
0xc2: {  	(tm) =	ssettm $0x7FFFFFFF  }
0xc3: {  	_ =	shalt  }
tec
execute0_lowered:
.L_overlay_start_1:
0x0: {  	(tag) =	ssettag $0x1  }
0x1: {  	s0 =	stileid.u32  }
0x2: {  	s1 =	srdreg.scid;
	s6 =	rddreg [dreg:$0x0]  }
0x3: {  	s2 =	rddreg [dreg:$0x1];
	s3 =	simm.s32 $0x0;
	s14 =	simm.s32 $0x6800  }
0x4: {  	s15 =	simm.s32 $0x1;
	s16 =	simm.s32 $0x0;
	s4 =	smul.u32 $0x50000, s0  }
0x5: {  	s5 =	sand.u32 $0x1, s1;
	s28 =	sshll.u32 s0, $0x1;
	s9 =	smul.u32 $0x13C00, s0  }
0x6: {  	[smem:$0x7FF] =	sst s3;
	s11 =	smul.u32 $0x4F000, s0;
	s12 =	sshll.u32 s0, $0x6  }
0x7: {  	s1 =	sor.u32 s5, s28;
	s8 =	smul.u32 $0x13C000, s5;
	s30 =	ssub.s32 $0x2, s5  }
0x8: {  	s13 =	smul.u32 $0x28000, s5;
	s5 =	sor.u32 $0x1C02, s12;
	s12 =	simm.s32 $0x2800  }
0x9: {  	s7 =	smul.u32 $0x500, s1;
	s1 =	rddreg [dreg:$0x2];
	_ =	strace $0x80000056  }
0xa: {  	s10 =	sadd.s32 s4, s6;
	s4 =	sadd.s32 $0x5200, s6;
	s31 =	sshrl.u32 s30, $0x1  }
0xb: {  	s11 =	sshrl.u32 s11, $0x2;
	s29 =	sadd.s32 s9, s8;
	s9 =	ssub.s32 s30, s31  }
0xc: {  	s11 =	sadd.s32 s11, s2;
	s10 =	sadd.s32 s13, s10;
	s8 =	sshrl.u32 s29, $0x3  }
0xd: {  	s13 =	simm.s32 $0x80;
	s7 =	sadd.s32 s7, s6;
	s8 =	sadd.s32 s8, s6  }
0xe: {  	s6 =	sadd.s32 $0x519000, s7;
	s7 =	sadd.s32 $0x40200, s8;
	s8 =	smax.u32 s9, $0x1  }
0xf: {  	s9 =	sadd.s32 $0x523000, s10;
	s10 =	sshrl.u32 s11, $0x3;
	s11 =	simm.s32 $0x2  }
.LBB2_1:
0x10: {  	[spmem:s10], [sflag:s5] =	dma.local [hbm:s4], $0x2780  }
0x11: {  	_ =	swait.ge [sflag:s11], $0x2780  }
0x12: {  	[sflag:s11] =	ssyncset.done $0x0  }
0x13: {  	[sflag:s11] =	ssyncadd.s32 $0xFFFFD880  }
0x14: {  	[tilespmem:s3], [sflag:$0x2] =	stream.linear.gather [hbm4b:s6+s3], $0x2800, $0x38;
	[tilespmem:$0x1E400] =	vst v63  }
0x15: {  	_ =	swait.ge [sflag:s11], $0x2800  }
0x16: {  	[sflag:s11] =	ssyncset.done $0x0  }
0x17: {  	[sflag:s11] =	ssyncadd.s32 $0xFFFFD800  }
0x18: {  	s17 =	sadd.s32 $0x0, s9;
	[bflag:$0x0] =	sbarrier.arrive $0xFFFF  }
0x19: {  	[tilespmem:s12], [sflag:$0x2] =	stream.linear.gather [hbm4b:s17+s3], $0x8000, $0x38;
	[tilespmem:$0x1E400] =	vst v63  }
0x1a: {  	_ =	swait.ge [sflag:s11], $0x8000  }
0x1b: {  	[sflag:s11] =	ssyncset.done $0x0  }
0x1c: {  	s31 =	simm.s32 $0x0;
	[sflag:s11] =	ssyncadd.s32 $0xFFFF8000  }
0x1d: {  	[spmem:s2] =	stream.indirect.scatter.add.f32 [tilespmem:s12], [sflag:$0x1], $0x80, s31, s13, $0xb8;
	[tilespmem:$0x1E400] =	vst v63  }
0x1e: {  	_ = 	snop  }
0x1f: {  	[spmem:s2] =	stream.indirect.scatter.add.f32 [tilespmem:s14], [sflag:$0x1], $0x80, s13, s13, $0xb8;
	[tilespmem:$0x1E400] =	vst v63  }
0x20: {  	_ =	swait.ge [sflag:s15], $0x4000  }
0x21: {  	[sflag:s15] =	ssyncset.done $0x0  }
0x22: {  	[sflag:s15] =	ssyncadd.s32 $0xFFFFC000  }
0x23: {  	s18 =	simm.s32 $0x1000;
	_ =	swait.ge [sflag:s15], $0x4000  }
0x24: {  	s19 =	simm.s32 $0x2000;
	s17 =	simm.s32 $0x180;
	[sflag:s15] =	ssyncset.done $0x0  }
.LBB2_2:
0x25: {  	s20 =	sadd.s32 s18, s9  }
0x26: {  	[sflag:s15] =	ssyncadd.s32 $0xFFFFC000;
	s18 =	smov.u32 s19;
	s21 =	sadd.s32 $0x1000, s19  }
0x27: {  	[tilespmem:s12], [sflag:$0x2] =	stream.linear.gather [hbm4b:s20+s3], $0x8000, $0x38;
	[tilespmem:$0x1E400] =	vst v63  }
0x28: {  	p0 =	sne.s32 s19, $0x27000;
	_ =	swait.ge [sflag:s11], $0x8000  }
0x29: {  	[sflag:s11] =	ssyncset.done $0x0  }
0x2a: {  	s19 =	sadd.s32 $0xFFFFFF80, s17;
	[sflag:s11] =	ssyncadd.s32 $0xFFFF8000  }
0x2b: {  	[spmem:s2] =	stream.indirect.scatter.add.f32 [tilespmem:s12], [sflag:$0x1], $0x80, s19, s13, $0xb8;
	[tilespmem:$0x1E400] =	vst v63  }
0x2c: {  	_ = 	snop  }
0x2d: {  	[spmem:s2] =	stream.indirect.scatter.add.f32 [tilespmem:s14], [sflag:$0x1], $0x80, s17, s13, $0xb8;
	[tilespmem:$0x1E400] =	vst v63  }
.Ltmp0:
0x2e: {  	_ =	swait.ge [sflag:s15], $0x4000;
	(pc) =	sbr.rel @p0 .LBB2_2-.Ltmp0, $4  }
0x2f: {  	[sflag:s15] =	ssyncset.done $0x0  }
0x30: {  	[sflag:s15] =	ssyncadd.s32 $0xFFFFC000  }
0x31: {  	_ =	swait.ge [sflag:s15], $0x4000  }
0x32: {  	s19 =	smov.u32 s21;
	s17 =	sadd.s32 $0x100, s17;
	[sflag:s15] =	ssyncset.done $0x0  }
0x33: {  	s18 =	sadd.s32 s18, s9;
	[sflag:s15] =	ssyncadd.s32 $0xFFFFC000  }
0x34: {  	[tilespmem:s12], [sflag:$0x2] =	stream.linear.gather [hbm4b:s18+s3], $0x8000, $0x38;
	[tilespmem:$0x1E400] =	vst v63  }
0x35: {  	_ =	swait.ge [sflag:s11], $0x8000  }
0x36: {  	[sflag:s11] =	ssyncset.done $0x0  }
0x37: {  	s31 =	sadd.s32 $0xFFFFFF80, s17;
	[sflag:s11] =	ssyncadd.s32 $0xFFFF8000  }
0x38: {  	[spmem:s2] =	stream.indirect.scatter.add.f32 [tilespmem:s12], [sflag:$0x1], $0x80, s31, s13, $0xb8;
	[tilespmem:$0x1E400] =	vst v63  }
0x39: {  	_ = 	snop  }
0x3a: {  	[spmem:s2] =	stream.indirect.scatter.add.f32 [tilespmem:s14], [sflag:$0x1], $0x80, s17, s13, $0xb8;
	[tilespmem:$0x1E400] =	vst v63  }
0x3b: {  	_ =	swait.ge [sflag:s15], $0x4000  }
0x3c: {  	[sflag:s15] =	ssyncset.done $0x0  }
0x3d: {  	[sflag:s15] =	ssyncadd.s32 $0xFFFFC000  }
0x3e: {  	_ =	swait.ge [sflag:s15], $0x4000  }
0x3f: {  	s16 =	sadd.s32 $0x1, s16;
	[sflag:s15] =	ssyncset.done $0x0  }
0x40: {  	p0 =	sne.s32 s16, s8;
	[sflag:s15] =	ssyncadd.s32 $0xFFFFC000  }
.Ltmp1:
0x41: {  	[bflag:$0x0] =	sbarrier.arrive $0xFFFF;
	(pc) =	sbr.rel @p0 .LBB2_1-.Ltmp1, $4  }
0x42: {  	[hbm:s7], [sflag:s5] =	dma.local [spmem:s10], $0x2780  }
0x43: {  	_ =	swait.ge [sflag:s11], $0x2780  }
0x44: {  	[sflag:s11] =	ssyncset.done $0x0  }
0x45: {  	[sflag:s11] =	ssyncadd.s32 $0xFFFFD880  }
0x46: {  	_ =	sfence.sel $0x180000  }
0x47: {  	[bflag:$0x0] =	sbarrier.arrive $0xFFFF  }
0x48: {  	p0 =	sne.s32 s0, $0x0;
	_ =	strace $0x90000056  }
0x49: {  	s0 =	sadd.s32 @!p0 $0x100000, s1;
	[bflag:$0x2] =	sbarrier.arrive $0xFFFF  }
0x4a: {  	[sflag:s0] =	ssyncadd.tile.s32 @!p0 $0x1;
	_ =	shalt  }
.Lfunc_end2:
_tile_overlayer_lowered:
.L_overlay_start_2:
0x4b: {  	(tag) =	ssettag $0x2  }
0x4c: {  	s0 =	rddreg [dreg:$0x0];
	s2 =	stileid.u32  }
0x4d: {  	s1 =	rddreg [dreg:$0x1];
	p0 =	sne.s32 s2, $0x0  }
0x4e: {  	s3 =	rddreg [dreg:$0x2];
	[bflag:$0x3] =	sbarrier.arrive $0xFFFF;
	s2 =	simm.s32 @!p0 $0x1C02  }
0x4f: {  	[timem:s3], [sflag:s2] =	dma.local @!p0 [hbm:s0], s1  }
0x50: {  	s0 =	simm.s32 @!p0 $0x2  }
0x51: {  	_ =	swait.ge @!p0 [sflag:s0], s1  }
0x52: {  	s1 =	ssub.s32 @!p0 $0x0, s1;
	[sflag:s0] =	ssyncset.done @!p0 $0x0  }
0x53: {  	[sflag:s0] =	ssyncadd.s32 @!p0 s1  }
0x54: {  	[bflag:$0x3] =	sbarrier.arrive $0xFFFF  }
0x55: {  	_ =	shalt  }

</sc_bundles>
